<compile_context>
chip_gen: v7x
topology: tpu7x:2x2x1
jax: 0.10.2.dev20260603
libtpu: 0.0.44.dev20260713+nightly
codegen_flags: <defaults>
</compile_context>

<pallas_src>
import functools

import jax
import jax.numpy as jnp
from jax.experimental import pallas as pl
from jax.experimental.pallas import tpu as pltpu
from jax.experimental.pallas import tpu_sc as plsc

B, CIN, HW, P = 32, 3, 224, 16
ZC = 256
EMBED = 64
VOCAB = 8192
HL = HW // P
NPP = HL * HL
N = B * NPP
KENC = CIN * P * P
NW = 32
RPW = 256
CBW = 128

_DOT = jax.lax.Precision.DEFAULT


def _encode_body(x_ref, we_ref, eb_ref, wp_ref, pb_ref, cbt_ref,
                 z_ref, tok_ref, s2_ref):
    @pl.when(pl.program_id(0) == 0)
    def _():
        cbt = cbt_ref[...]
        s2_ref[...] = jnp.sum(cbt * cbt, axis=0, keepdims=True)

    xb = x_ref[0]
    p = xb.reshape(CIN, HL, P, HL, P).transpose(1, 3, 0, 2, 4)
    p = p.reshape(NPP, KENC)
    z0 = jax.lax.dot_general(p, we_ref[...], (((1,), (0,)), ((), ())),
                             precision=_DOT) + eb_ref[...]
    z = jax.lax.dot_general(z0, wp_ref[...], (((1,), (0,)), ((), ())),
                            precision=_DOT) + pb_ref[...]
    z_ref[0] = z.T
    s1 = jnp.sum(z * z, axis=1, keepdims=True)
    m = jax.lax.dot_general(z, cbt_ref[...], (((1,), (0,)), ((), ())),
                            precision=_DOT)
    dist = (s1 + s2_ref[...]) - 2.0 * m
    minval = jnp.min(dist, axis=1, keepdims=True)
    lane = jax.lax.broadcasted_iota(jnp.int32, dist.shape, 1)
    tok = jnp.min(jnp.where(dist == minval, lane, VOCAB), axis=1,
                  keepdims=True)
    filler = jax.lax.broadcasted_iota(jnp.int32, (1, RPW - NPP), 1)
    tok_ref[0] = jnp.concatenate([tok.T, filler], axis=1)


def _encode_body_alias(x_ref, we_ref, eb_ref, wp_ref, pb_ref, cbt_ref,
                       zprev_ref, z_ref, tok_ref, s2_ref):
    del zprev_ref
    _encode_body(x_ref, we_ref, eb_ref, wp_ref, pb_ref, cbt_ref,
                 z_ref, tok_ref, s2_ref)


def _decode_body(zq_ref, wpost_ref, postb_ref, wdec_ref, db_ref,
                 zqt_ref, rec_ref):
    zq = zq_ref[0, :NPP, :EMBED]
    zqt_ref[0] = zq.T
    d1 = jax.lax.dot_general(zq, wpost_ref[...], (((1,), (0,)), ((), ())),
                             precision=_DOT) + postb_ref[...]
    rec_p = jax.lax.dot_general(d1, wdec_ref[...], (((1,), (0,)), ((), ())),
                                precision=_DOT) + db_ref[...]
    rec = rec_p.reshape(HL, HL, CIN, P, P).transpose(2, 0, 3, 1, 4)
    rec_ref[0] = rec.reshape(CIN, HW, HW)


def _decode_body_alias(zq_ref, wpost_ref, postb_ref, wdec_ref, db_ref,
                       zqtprev_ref, recprev_ref, zqt_ref, rec_ref):
    del zqtprev_ref, recprev_ref
    _decode_body(zq_ref, wpost_ref, postb_ref, wdec_ref, db_ref,
                 zqt_ref, rec_ref)


def _sc_gather_body(tok_hbm, table_hbm, out_hbm, idx_v, rows_v, sem0, sem1):
    wid = jax.lax.axis_index("s") * 2 + jax.lax.axis_index("c")
    pltpu.sync_copy(tok_hbm.at[pl.ds(wid * 2, 2)], idx_v)
    cp0 = pltpu.async_copy(table_hbm.at[idx_v.at[0]], rows_v.at[0], sem0)
    cp1 = pltpu.async_copy(table_hbm.at[idx_v.at[1]], rows_v.at[1], sem1)
    cp0.wait()
    cp1.wait()
    pltpu.sync_copy(rows_v.at[0], out_hbm.at[pl.ds(wid * RPW, 128)])
    pltpu.sync_copy(rows_v.at[1], out_hbm.at[pl.ds(wid * RPW + 128, 128)])


def _sc_gather_body_1(tok_hbm, table_hbm, out_hbm, idx_v, rows_v, sem0):
    wid = jax.lax.axis_index("s") * 2 + jax.lax.axis_index("c")
    pltpu.sync_copy(tok_hbm.at[pl.ds(wid, 1)], idx_v)
    pltpu.async_copy(table_hbm.at[idx_v.at[0]], rows_v.at[0], sem0).wait()
    pltpu.sync_copy(rows_v.at[0], out_hbm.at[pl.ds(wid * 128, 128)])


def _sc_gather(tok2d, table):
    nrow = tok2d.shape[0] * 128
    if nrow == NW * 128:
        body, nbuf, sems = _sc_gather_body_1, 1, [pltpu.SemaphoreType.DMA]
    else:
        body, nbuf, sems = (_sc_gather_body, 2,
                            [pltpu.SemaphoreType.DMA, pltpu.SemaphoreType.DMA])
    gather = functools.partial(
        pl.kernel,
        mesh=plsc.VectorSubcoreMesh(core_axis_name="c", subcore_axis_name="s"),
        out_type=jax.ShapeDtypeStruct((nrow, CBW), jnp.float32),
        scratch_types=[
            pltpu.VMEM((nbuf, 128), jnp.int32),
            pltpu.VMEM((nbuf, 128, CBW), jnp.float32),
        ] + sems,
    )(body)
    return gather(tok2d, table)


HB = B // 2


def _encode(x, we, eb, wp, pb, cbt, off, z_prev):
    full = lambda b: (0, 0)
    in_specs = [
        pl.BlockSpec((1, CIN, HW, HW), lambda b: (b + off, 0, 0, 0)),
        pl.BlockSpec((KENC, ZC), full),
        pl.BlockSpec((1, ZC), full),
        pl.BlockSpec((ZC, EMBED), full),
        pl.BlockSpec((1, EMBED), full),
        pl.BlockSpec((EMBED, VOCAB), full),
    ]
    args = [x, we, eb, wp, pb, cbt]
    body, aliases = _encode_body, {}
    if z_prev is not None:
        in_specs.append(pl.BlockSpec(memory_space=pltpu.MemorySpace.HBM))
        args.append(z_prev)
        body, aliases = _encode_body_alias, {6: 0}
    return pl.pallas_call(
        body,
        grid=(HB,),
        in_specs=in_specs,
        out_specs=[
            pl.BlockSpec((1, EMBED, NPP), lambda b: (b + off, 0, 0)),
            pl.BlockSpec((1, 1, RPW), lambda b: (b, 0, 0)),
        ],
        out_shape=[
            jax.ShapeDtypeStruct((B, EMBED, NPP), jnp.float32),
            jax.ShapeDtypeStruct((HB, 1, RPW), jnp.int32),
        ],
        scratch_shapes=[pltpu.VMEM((1, VOCAB), jnp.float32)],
        input_output_aliases=aliases,
        compiler_params=pltpu.CompilerParams(
            dimension_semantics=("arbitrary",)),
    )(*args)


def _decode(zq_pad, wpost, postb, wdec, db, off, prev):
    full = lambda b: (0, 0)
    in_specs = [
        pl.BlockSpec((1, RPW, CBW), lambda b: (b, 0, 0)),
        pl.BlockSpec((EMBED, ZC), full),
        pl.BlockSpec((1, ZC), full),
        pl.BlockSpec((ZC, CIN * P * P), full),
        pl.BlockSpec((1, CIN * P * P), full),
    ]
    args = [zq_pad, wpost, postb, wdec, db]
    body, aliases = _decode_body, {}
    if prev is not None:
        in_specs += [pl.BlockSpec(memory_space=pltpu.MemorySpace.HBM),
                     pl.BlockSpec(memory_space=pltpu.MemorySpace.HBM)]
        args += [prev[0], prev[1]]
        body, aliases = _decode_body_alias, {5: 0, 6: 1}
    return pl.pallas_call(
        body,
        grid=(HB,),
        in_specs=in_specs,
        out_specs=[
            pl.BlockSpec((1, EMBED, NPP), lambda b: (b + off, 0, 0)),
            pl.BlockSpec((1, CIN, HW, HW), lambda b: (b + off, 0, 0, 0)),
        ],
        out_shape=[
            jax.ShapeDtypeStruct((B, EMBED, NPP), jnp.float32),
            jax.ShapeDtypeStruct((B, CIN, HW, HW), jnp.float32),
        ],
        input_output_aliases=aliases,
        compiler_params=pltpu.CompilerParams(
            dimension_semantics=("arbitrary",)),
    )(*args)


def kernel(x, enc_w, enc_b, pre_w, pre_b, codebook, post_w, post_b, dec_w, dec_b):
    we = enc_w.reshape(ZC, KENC).T
    wp = pre_w[:, :, 0, 0].T
    wpost = post_w[:, :, 0, 0].T
    wdec = dec_w[:, :, ::-1, ::-1].transpose(1, 0, 2, 3).reshape(ZC, CIN * P * P)
    db = jnp.repeat(dec_b, P * P).reshape(1, CIN * P * P)
    eb = enc_b.reshape(1, ZC)
    pb = pre_b.reshape(1, EMBED)
    postb = post_b.reshape(1, ZC)
    cbt = codebook.T
    cb_pad = jnp.pad(codebook, ((0, 0), (0, CBW - EMBED)))

    z_out, tok0 = _encode(x, we, eb, wp, pb, cbt, 0, None)
    zq0 = _sc_gather(tok0.reshape(HB * RPW // 128, 128), cb_pad)
    z_out, tok1 = _encode(x, we, eb, wp, pb, cbt, HB, z_out)
    zq1 = _sc_gather(tok1.reshape(HB * RPW // 128, 128), cb_pad)
    zqt_out, rec = _decode(zq0.reshape(HB, RPW, CBW), wpost, postb, wdec, db,
                           0, None)
    zqt_out, rec = _decode(zq1.reshape(HB, RPW, CBW), wpost, postb, wdec, db,
                           HB, (zqt_out, rec))

    z = z_out.reshape(B, EMBED, HL, HL)
    z_q = zqt_out.reshape(B, EMBED, HL, HL)
    return (z, z_q, rec)

# --- scband reference (transcript-rebuilt; emitter-appended) ---
"""Pipeline reference for scband-tokenizer-59141699666085 (READ-ONLY COPY).

The authoritative reference and input builder live on the scoring server;
editing this copy changes nothing except your own understanding.
"""

import jax, jax.numpy as jnp
import numpy as np

B, CIN, HW, P = 32, 3, 224, 16
ZC = 256          # encoder z_channels
EMBED = 64        # codebook dim
VOCAB = 8192      # codebook size
HL = HW // P      # 14 latent spatial


def setup_inputs(seed: int = 0) -> dict:
    key = jax.random.key(seed)
    ks = jax.random.split(key, 8)
    x = jax.random.uniform(ks[0], (B, CIN, HW, HW), dtype=jnp.float32)
    enc_w = jax.random.normal(ks[1], (ZC, CIN, P, P), dtype=jnp.float32) * 0.02
    enc_b = jnp.zeros((ZC,), dtype=jnp.float32)
    pre_w = jax.random.normal(ks[2], (EMBED, ZC, 1, 1), dtype=jnp.float32) * 0.02
    pre_b = jnp.zeros((EMBED,), dtype=jnp.float32)
    codebook = jax.random.uniform(ks[3], (VOCAB, EMBED), dtype=jnp.float32,
                                  minval=-1.0 / VOCAB, maxval=1.0 / VOCAB)
    post_w = jax.random.normal(ks[4], (ZC, EMBED, 1, 1), dtype=jnp.float32) * 0.02
    post_b = jnp.zeros((ZC,), dtype=jnp.float32)
    dec_w = jax.random.normal(ks[5], (CIN, ZC, P, P), dtype=jnp.float32) * 0.02
    dec_b = jnp.zeros((CIN,), dtype=jnp.float32)
    return {"x": x, "enc_w": enc_w, "enc_b": enc_b, "pre_w": pre_w, "pre_b": pre_b,
            "codebook": codebook, "post_w": post_w, "post_b": post_b,
            "dec_w": dec_w, "dec_b": dec_b}


def reference(x, enc_w, enc_b, pre_w, pre_b, codebook, post_w, post_b, dec_w, dec_b):
    dn = ("NCHW", "OIHW", "NCHW")
    # encoder stub: patchify conv
    z = jax.lax.conv_general_dilated(x, enc_w, (P, P), "VALID", dimension_numbers=dn)
    z = z + enc_b[None, :, None, None]
    # pre_quant_conv (1x1)
    z = jax.lax.conv_general_dilated(z, pre_w, (1, 1), "VALID", dimension_numbers=dn)
    z = z + pre_b[None, :, None, None]
    b, e, h, w = z.shape
    # rearrange 'b e h w -> (b h w) e'
    z_flat = jnp.transpose(z, (0, 2, 3, 1)).reshape(-1, e)
    # squared L2 distance to every code
    dist = (jnp.sum(z_flat ** 2, axis=1, keepdims=True)
            + jnp.sum(codebook ** 2, axis=1)
            - 2.0 * jnp.matmul(z_flat, codebook.T))
    tokens = jnp.argmin(dist, axis=-1)
    # embedding lookup (gather) + rearrange '(b h w) e -> b e h w'
    z_q = jnp.take(codebook, tokens, axis=0).reshape(b, h, w, e).transpose(0, 3, 1, 2)
    # straight-through estimator
    decoder_input = z + jax.lax.stop_gradient(z_q - z)
    # post_quant_conv (1x1)
    d = jax.lax.conv_general_dilated(decoder_input, post_w, (1, 1), "VALID", dimension_numbers=dn)
    d = d + post_b[None, :, None, None]
    # decoder stub: transposed conv back to image
    rec = jax.lax.conv_transpose(d, dec_w, (P, P), "VALID", dimension_numbers=dn)
    rec = rec + dec_b[None, :, None, None]
    return (z, z_q, rec)

if __name__ == "__main__":
    import jax
    _d = setup_inputs()
    print(jax.jit(kernel)(*tuple(_d.values())))

</pallas_src>

<mosaic_0001>
#map = affine_map<(d0, d1) -> (0, 0)>
module attributes {stable_mosaic.version = 14 : i64} {
  func.func @_sc_gather_body_1(%arg0: i32, %arg1: i32, %arg2: memref<32x128xi32, #tpu.memory_space<hbm>>, %arg3: memref<8192x128xf32, #tpu.memory_space<hbm>>, %arg4: memref<4096x128xf32, #tpu.memory_space<hbm>>, %arg5: memref<1x128xi32, #tpu.memory_space<vmem>>, %arg6: memref<1x128x128xf32, #tpu.memory_space<vmem>>, %arg7: memref<!tpu.dma_semaphore, #tpu.memory_space<semaphore_mem>>) attributes {dimension_semantics = [#tpu.dimension_semantics<core_parallel>, #tpu.dimension_semantics<subcore_parallel>], iteration_bounds = array<i64: 2, 16>, scalar_prefetch = 0 : i64, scratch_operands = 3 : i64, tpu.core_type = #tpu.core_type<sc_vector_subcore>, window_params = [{transform_indices = #map}, {transform_indices = #map}, {transform_indices = #map}]} {
    %mul3A = arith.constant 2 : i32
    %mul3A_0 = arith.muli %arg1, %mul3A : i32
    %add3A = arith.addi %mul3A_0, %arg0 : i32
    "tpu.region"() ({
      %run_scoped3A_25 = tpu.sem_alloc : memref<!tpu.dma_semaphore, #tpu.memory_space<semaphore_mem>>
      %dma_start3A_26 = arith.constant 0 : i32
      %dma_start3A_27 = tpu.memref_slice %arg2[%add3A, %dma_start3A_26] : memref<32x128xi32, #tpu.memory_space<hbm>> -> memref<1x128xi32, #tpu.memory_space<hbm>>
      %dma_start3A_28 = arith.constant 0 : i32
      %dma_start3A_29 = tpu.memref_slice %arg2[%add3A, %dma_start3A_28] : memref<32x128xi32, #tpu.memory_space<hbm>> -> memref<1x128xi32, #tpu.memory_space<hbm>>
      tpu.enqueue_dma source(%dma_start3A_29 : memref<1x128xi32, #tpu.memory_space<hbm>>) target(%arg5 : memref<1x128xi32, #tpu.memory_space<vmem>>) target_semaphore(%run_scoped3A_25 : memref<!tpu.dma_semaphore, #tpu.memory_space<semaphore_mem>>)
      %dma_wait3A_30 = arith.constant 0 : i32
      %dma_wait3A_31 = tpu.memref_slice %arg2[%add3A, %dma_wait3A_30] : memref<32x128xi32, #tpu.memory_space<hbm>> -> memref<1x128xi32, #tpu.memory_space<hbm>>
      %dma_wait3A_32 = arith.constant 0 : i32
      %dma_wait3A_33 = tpu.memref_slice %arg2[%add3A, %dma_wait3A_32] : memref<32x128xi32, #tpu.memory_space<hbm>> -> memref<1x128xi32, #tpu.memory_space<hbm>>
      tpu.wait_dma2 semaphore(%run_scoped3A_25 : memref<!tpu.dma_semaphore, #tpu.memory_space<semaphore_mem>>) src(%dma_wait3A_33 : memref<1x128xi32, #tpu.memory_space<hbm>>) dst(%arg5 : memref<1x128xi32, #tpu.memory_space<vmem>>)
      tpu.yield
    }) : () -> ()
    %dma_start3A = arith.constant 0 : i32
    %dma_start3A_1 = arith.constant 0 : i32
    %dma_start3A_2 = arith.constant 0 : i32
    %dma_start3A_3 = arith.constant 0 : i32
    %dma_start3A_4 = tpu.memref_slice %arg6[%dma_start3A_1, %dma_start3A_2, %dma_start3A_3] : memref<1x128x128xf32, #tpu.memory_space<vmem>> -> memref<1x128x128xf32, #tpu.memory_space<vmem>>
    %dma_start3A_5 = tpu.memref_squeeze %dma_start3A_4 : memref<1x128x128xf32, #tpu.memory_space<vmem>> -> memref<128x128xf32, #tpu.memory_space<vmem>>
    %dma_start3A_6 = arith.constant 0 : i32
    %dma_start3A_7 = tpu.memref_slice %arg5[%dma_start3A, %dma_start3A_6] : memref<1x128xi32, #tpu.memory_space<vmem>> -> memref<1x128xi32, #tpu.memory_space<vmem>>
    %dma_start3A_8 = tpu.memref_squeeze %dma_start3A_7 : memref<1x128xi32, #tpu.memory_space<vmem>> -> memref<128xi32, #tpu.memory_space<vmem>>
    %dma_start3A_9 = arith.constant 0 : i32
    %dma_start3A_10 = arith.constant 0 : i32
    %dma_start3A_11 = tpu.memref_slice %arg3[%dma_start3A_9, %dma_start3A_10] : memref<8192x128xf32, #tpu.memory_space<hbm>> -> memref<8192x128xf32, #tpu.memory_space<hbm>>
    tpu.enqueue_indirect_dma source(%dma_start3A_11 : memref<8192x128xf32, #tpu.memory_space<hbm>>) target(%dma_start3A_5 : memref<128x128xf32, #tpu.memory_space<vmem>>) offsets(%dma_start3A_8 : memref<128xi32, #tpu.memory_space<vmem>>) semaphore(%arg7 : memref<!tpu.dma_semaphore, #tpu.memory_space<semaphore_mem>>)
    %dma_wait3A = arith.constant 0 : i32
    %dma_wait3A_12 = arith.constant 0 : i32
    %dma_wait3A_13 = arith.constant 0 : i32
    %dma_wait3A_14 = arith.constant 0 : i32
    %dma_wait3A_15 = tpu.memref_slice %arg6[%dma_wait3A_12, %dma_wait3A_13, %dma_wait3A_14] : memref<1x128x128xf32, #tpu.memory_space<vmem>> -> memref<1x128x128xf32, #tpu.memory_space<vmem>>
    %dma_wait3A_16 = tpu.memref_squeeze %dma_wait3A_15 : memref<1x128x128xf32, #tpu.memory_space<vmem>> -> memref<128x128xf32, #tpu.memory_space<vmem>>
    %dma_wait3A_17 = arith.constant 0 : i32
    %dma_wait3A_18 = tpu.memref_slice %arg5[%dma_wait3A, %dma_wait3A_17] : memref<1x128xi32, #tpu.memory_space<vmem>> -> memref<1x128xi32, #tpu.memory_space<vmem>>
    %dma_wait3A_19 = tpu.memref_squeeze %dma_wait3A_18 : memref<1x128xi32, #tpu.memory_space<vmem>> -> memref<128xi32, #tpu.memory_space<vmem>>
    %dma_wait3A_20 = arith.constant 0 : i32
    %dma_wait3A_21 = arith.constant 0 : i32
    %dma_wait3A_22 = tpu.memref_slice %arg3[%dma_wait3A_20, %dma_wait3A_21] : memref<8192x128xf32, #tpu.memory_space<hbm>> -> memref<8192x128xf32, #tpu.memory_space<hbm>>
    tpu.wait_indirect_dma semaphore(%arg7 : memref<!tpu.dma_semaphore, #tpu.memory_space<semaphore_mem>>) src(%dma_wait3A_22 : memref<8192x128xf32, #tpu.memory_space<hbm>>) dst(%dma_wait3A_16 : memref<128x128xf32, #tpu.memory_space<vmem>>)
    %mul3A_23 = arith.constant 128 : i32
    %mul3A_24 = arith.muli %add3A, %mul3A_23 : i32
    %run_scoped3A = arith.constant 0 : i32
    "tpu.region"() ({
      %run_scoped3A_25 = tpu.sem_alloc : memref<!tpu.dma_semaphore, #tpu.memory_space<semaphore_mem>>
      %dma_start3A_26 = arith.constant 0 : i32
      %dma_start3A_27 = arith.constant 0 : i32
      %dma_start3A_28 = tpu.memref_slice %arg6[%run_scoped3A, %dma_start3A_26, %dma_start3A_27] : memref<1x128x128xf32, #tpu.memory_space<vmem>> -> memref<1x128x128xf32, #tpu.memory_space<vmem>>
      %dma_start3A_29 = tpu.memref_squeeze %dma_start3A_28 : memref<1x128x128xf32, #tpu.memory_space<vmem>> -> memref<128x128xf32, #tpu.memory_space<vmem>>
      %dma_start3A_30 = arith.constant 0 : i32
      %dma_start3A_31 = tpu.memref_slice %arg4[%mul3A_24, %dma_start3A_30] : memref<4096x128xf32, #tpu.memory_space<hbm>> -> memref<128x128xf32, #tpu.memory_space<hbm>>
      %dma_start3A_32 = arith.constant 0 : i32
      %dma_start3A_33 = tpu.memref_slice %arg4[%mul3A_24, %dma_start3A_32] : memref<4096x128xf32, #tpu.memory_space<hbm>> -> memref<128x128xf32, #tpu.memory_space<hbm>>
      %dma_start3A_34 = arith.constant 0 : i32
      %dma_start3A_35 = arith.constant 0 : i32
      %dma_start3A_36 = tpu.memref_slice %arg6[%run_scoped3A, %dma_start3A_34, %dma_start3A_35] : memref<1x128x128xf32, #tpu.memory_space<vmem>> -> memref<1x128x128xf32, #tpu.memory_space<vmem>>
      %dma_start3A_37 = tpu.memref_squeeze %dma_start3A_36 : memref<1x128x128xf32, #tpu.memory_space<vmem>> -> memref<128x128xf32, #tpu.memory_space<vmem>>
      tpu.enqueue_dma source(%dma_start3A_37 : memref<128x128xf32, #tpu.memory_space<vmem>>) target(%dma_start3A_33 : memref<128x128xf32, #tpu.memory_space<hbm>>) target_semaphore(%run_scoped3A_25 : memref<!tpu.dma_semaphore, #tpu.memory_space<semaphore_mem>>)
      %dma_wait3A_38 = arith.constant 0 : i32
      %dma_wait3A_39 = arith.constant 0 : i32
      %dma_wait3A_40 = tpu.memref_slice %arg6[%run_scoped3A, %dma_wait3A_38, %dma_wait3A_39] : memref<1x128x128xf32, #tpu.memory_space<vmem>> -> memref<1x128x128xf32, #tpu.memory_space<vmem>>
      %dma_wait3A_41 = tpu.memref_squeeze %dma_wait3A_40 : memref<1x128x128xf32, #tpu.memory_space<vmem>> -> memref<128x128xf32, #tpu.memory_space<vmem>>
      %dma_wait3A_42 = arith.constant 0 : i32
      %dma_wait3A_43 = tpu.memref_slice %arg4[%mul3A_24, %dma_wait3A_42] : memref<4096x128xf32, #tpu.memory_space<hbm>> -> memref<128x128xf32, #tpu.memory_space<hbm>>
      %dma_wait3A_44 = arith.constant 0 : i32
      %dma_wait3A_45 = tpu.memref_slice %arg4[%mul3A_24, %dma_wait3A_44] : memref<4096x128xf32, #tpu.memory_space<hbm>> -> memref<128x128xf32, #tpu.memory_space<hbm>>
      %dma_wait3A_46 = arith.constant 0 : i32
      %dma_wait3A_47 = arith.constant 0 : i32
      %dma_wait3A_48 = tpu.memref_slice %arg6[%run_scoped3A, %dma_wait3A_46, %dma_wait3A_47] : memref<1x128x128xf32, #tpu.memory_space<vmem>> -> memref<1x128x128xf32, #tpu.memory_space<vmem>>
      %dma_wait3A_49 = tpu.memref_squeeze %dma_wait3A_48 : memref<1x128x128xf32, #tpu.memory_space<vmem>> -> memref<128x128xf32, #tpu.memory_space<vmem>>
      tpu.wait_dma2 semaphore(%run_scoped3A_25 : memref<!tpu.dma_semaphore, #tpu.memory_space<semaphore_mem>>) src(%dma_wait3A_49 : memref<128x128xf32, #tpu.memory_space<vmem>>) dst(%dma_wait3A_45 : memref<128x128xf32, #tpu.memory_space<hbm>>)
      tpu.yield
    }) : () -> ()
    return
  }
}

#map = affine_map<(d0, d1) -> (0, 0)>
module attributes {stable_mosaic.version = 14 : i64} {
  func.func @_sc_gather_body_1(%arg0: i32, %arg1: i32, %arg2: memref<32x128xi32, #tpu.memory_space<hbm>>, %arg3: memref<8192x128xf32, #tpu.memory_space<hbm>>, %arg4: memref<4096x128xf32, #tpu.memory_space<hbm>>, %arg5: memref<1x128xi32, #tpu.memory_space<vmem>>, %arg6: memref<1x128x128xf32, #tpu.memory_space<vmem>>, %arg7: memref<!tpu.dma_semaphore, #tpu.memory_space<semaphore_mem>>) attributes {dimension_semantics = [#tpu.dimension_semantics<core_parallel>, #tpu.dimension_semantics<subcore_parallel>], iteration_bounds = array<i64: 2, 16>, scalar_prefetch = 0 : i64, scratch_operands = 3 : i64, tpu.core_type = #tpu.core_type<sc_vector_subcore>, window_params = [{transform_indices = #map}, {transform_indices = #map}, {transform_indices = #map}]} {
    %mul3A = arith.constant 2 : i32
    %mul3A_0 = arith.muli %arg1, %mul3A : i32
    %add3A = arith.addi %mul3A_0, %arg0 : i32
    "tpu.region"() ({
      %run_scoped3A_25 = tpu.sem_alloc : memref<!tpu.dma_semaphore, #tpu.memory_space<semaphore_mem>>
      %dma_start3A_26 = arith.constant 0 : i32
      %dma_start3A_27 = tpu.memref_slice %arg2[%add3A, %dma_start3A_26] : memref<32x128xi32, #tpu.memory_space<hbm>> -> memref<1x128xi32, #tpu.memory_space<hbm>>
      %dma_start3A_28 = arith.constant 0 : i32
      %dma_start3A_29 = tpu.memref_slice %arg2[%add3A, %dma_start3A_28] : memref<32x128xi32, #tpu.memory_space<hbm>> -> memref<1x128xi32, #tpu.memory_space<hbm>>
      tpu.enqueue_dma source(%dma_start3A_29 : memref<1x128xi32, #tpu.memory_space<hbm>>) target(%arg5 : memref<1x128xi32, #tpu.memory_space<vmem>>) target_semaphore(%run_scoped3A_25 : memref<!tpu.dma_semaphore, #tpu.memory_space<semaphore_mem>>)
      %dma_wait3A_30 = arith.constant 0 : i32
      %dma_wait3A_31 = tpu.memref_slice %arg2[%add3A, %dma_wait3A_30] : memref<32x128xi32, #tpu.memory_space<hbm>> -> memref<1x128xi32, #tpu.memory_space<hbm>>
      %dma_wait3A_32 = arith.constant 0 : i32
      %dma_wait3A_33 = tpu.memref_slice %arg2[%add3A, %dma_wait3A_32] : memref<32x128xi32, #tpu.memory_space<hbm>> -> memref<1x128xi32, #tpu.memory_space<hbm>>
      tpu.wait_dma2 semaphore(%run_scoped3A_25 : memref<!tpu.dma_semaphore, #tpu.memory_space<semaphore_mem>>) src(%dma_wait3A_33 : memref<1x128xi32, #tpu.memory_space<hbm>>) dst(%arg5 : memref<1x128xi32, #tpu.memory_space<vmem>>)
      tpu.yield
    }) : () -> ()
    %dma_start3A = arith.constant 0 : i32
    %dma_start3A_1 = arith.constant 0 : i32
    %dma_start3A_2 = arith.constant 0 : i32
    %dma_start3A_3 = arith.constant 0 : i32
    %dma_start3A_4 = tpu.memref_slice %arg6[%dma_start3A_1, %dma_start3A_2, %dma_start3A_3] : memref<1x128x128xf32, #tpu.memory_space<vmem>> -> memref<1x128x128xf32, #tpu.memory_space<vmem>>
    %dma_start3A_5 = tpu.memref_squeeze %dma_start3A_4 : memref<1x128x128xf32, #tpu.memory_space<vmem>> -> memref<128x128xf32, #tpu.memory_space<vmem>>
    %dma_start3A_6 = arith.constant 0 : i32
    %dma_start3A_7 = tpu.memref_slice %arg5[%dma_start3A, %dma_start3A_6] : memref<1x128xi32, #tpu.memory_space<vmem>> -> memref<1x128xi32, #tpu.memory_space<vmem>>
    %dma_start3A_8 = tpu.memref_squeeze %dma_start3A_7 : memref<1x128xi32, #tpu.memory_space<vmem>> -> memref<128xi32, #tpu.memory_space<vmem>>
    %dma_start3A_9 = arith.constant 0 : i32
    %dma_start3A_10 = arith.constant 0 : i32
    %dma_start3A_11 = tpu.memref_slice %arg3[%dma_start3A_9, %dma_start3A_10] : memref<8192x128xf32, #tpu.memory_space<hbm>> -> memref<8192x128xf32, #tpu.memory_space<hbm>>
    tpu.enqueue_indirect_dma source(%dma_start3A_11 : memref<8192x128xf32, #tpu.memory_space<hbm>>) target(%dma_start3A_5 : memref<128x128xf32, #tpu.memory_space<vmem>>) offsets(%dma_start3A_8 : memref<128xi32, #tpu.memory_space<vmem>>) semaphore(%arg7 : memref<!tpu.dma_semaphore, #tpu.memory_space<semaphore_mem>>)
    %dma_wait3A = arith.constant 0 : i32
    %dma_wait3A_12 = arith.constant 0 : i32
    %dma_wait3A_13 = arith.constant 0 : i32
    %dma_wait3A_14 = arith.constant 0 : i32
    %dma_wait3A_15 = tpu.memref_slice %arg6[%dma_wait3A_12, %dma_wait3A_13, %dma_wait3A_14] : memref<1x128x128xf32, #tpu.memory_space<vmem>> -> memref<1x128x128xf32, #tpu.memory_space<vmem>>
    %dma_wait3A_16 = tpu.memref_squeeze %dma_wait3A_15 : memref<1x128x128xf32, #tpu.memory_space<vmem>> -> memref<128x128xf32, #tpu.memory_space<vmem>>
    %dma_wait3A_17 = arith.constant 0 : i32
    %dma_wait3A_18 = tpu.memref_slice %arg5[%dma_wait3A, %dma_wait3A_17] : memref<1x128xi32, #tpu.memory_space<vmem>> -> memref<1x128xi32, #tpu.memory_space<vmem>>
    %dma_wait3A_19 = tpu.memref_squeeze %dma_wait3A_18 : memref<1x128xi32, #tpu.memory_space<vmem>> -> memref<128xi32, #tpu.memory_space<vmem>>
    %dma_wait3A_20 = arith.constant 0 : i32
    %dma_wait3A_21 = arith.constant 0 : i32
    %dma_wait3A_22 = tpu.memref_slice %arg3[%dma_wait3A_20, %dma_wait3A_21] : memref<8192x128xf32, #tpu.memory_space<hbm>> -> memref<8192x128xf32, #tpu.memory_space<hbm>>
    tpu.wait_indirect_dma semaphore(%arg7 : memref<!tpu.dma_semaphore, #tpu.memory_space<semaphore_mem>>) src(%dma_wait3A_22 : memref<8192x128xf32, #tpu.memory_space<hbm>>) dst(%dma_wait3A_16 : memref<128x128xf32, #tpu.memory_space<vmem>>)
    %mul3A_23 = arith.constant 128 : i32
    %mul3A_24 = arith.muli %add3A, %mul3A_23 : i32
    %run_scoped3A = arith.constant 0 : i32
    "tpu.region"() ({
      %run_scoped3A_25 = tpu.sem_alloc : memref<!tpu.dma_semaphore, #tpu.memory_space<semaphore_mem>>
      %dma_start3A_26 = arith.constant 0 : i32
      %dma_start3A_27 = arith.constant 0 : i32
      %dma_start3A_28 = tpu.memref_slice %arg6[%run_scoped3A, %dma_start3A_26, %dma_start3A_27] : memref<1x128x128xf32, #tpu.memory_space<vmem>> -> memref<1x128x128xf32, #tpu.memory_space<vmem>>
      %dma_start3A_29 = tpu.memref_squeeze %dma_start3A_28 : memref<1x128x128xf32, #tpu.memory_space<vmem>> -> memref<128x128xf32, #tpu.memory_space<vmem>>
      %dma_start3A_30 = arith.constant 0 : i32
      %dma_start3A_31 = tpu.memref_slice %arg4[%mul3A_24, %dma_start3A_30] : memref<4096x128xf32, #tpu.memory_space<hbm>> -> memref<128x128xf32, #tpu.memory_space<hbm>>
      %dma_start3A_32 = arith.constant 0 : i32
      %dma_start3A_33 = tpu.memref_slice %arg4[%mul3A_24, %dma_start3A_32] : memref<4096x128xf32, #tpu.memory_space<hbm>> -> memref<128x128xf32, #tpu.memory_space<hbm>>
      %dma_start3A_34 = arith.constant 0 : i32
      %dma_start3A_35 = arith.constant 0 : i32
      %dma_start3A_36 = tpu.memref_slice %arg6[%run_scoped3A, %dma_start3A_34, %dma_start3A_35] : memref<1x128x128xf32, #tpu.memory_space<vmem>> -> memref<1x128x128xf32, #tpu.memory_space<vmem>>
      %dma_start3A_37 = tpu.memref_squeeze %dma_start3A_36 : memref<1x128x128xf32, #tpu.memory_space<vmem>> -> memref<128x128xf32, #tpu.memory_space<vmem>>
      tpu.enqueue_dma source(%dma_start3A_37 : memref<128x128xf32, #tpu.memory_space<vmem>>) target(%dma_start3A_33 : memref<128x128xf32, #tpu.memory_space<hbm>>) target_semaphore(%run_scoped3A_25 : memref<!tpu.dma_semaphore, #tpu.memory_space<semaphore_mem>>)
      %dma_wait3A_38 = arith.constant 0 : i32
      %dma_wait3A_39 = arith.constant 0 : i32
      %dma_wait3A_40 = tpu.memref_slice %arg6[%run_scoped3A, %dma_wait3A_38, %dma_wait3A_39] : memref<1x128x128xf32, #tpu.memory_space<vmem>> -> memref<1x128x128xf32, #tpu.memory_space<vmem>>
      %dma_wait3A_41 = tpu.memref_squeeze %dma_wait3A_40 : memref<1x128x128xf32, #tpu.memory_space<vmem>> -> memref<128x128xf32, #tpu.memory_space<vmem>>
      %dma_wait3A_42 = arith.constant 0 : i32
      %dma_wait3A_43 = tpu.memref_slice %arg4[%mul3A_24, %dma_wait3A_42] : memref<4096x128xf32, #tpu.memory_space<hbm>> -> memref<128x128xf32, #tpu.memory_space<hbm>>
      %dma_wait3A_44 = arith.constant 0 : i32
      %dma_wait3A_45 = tpu.memref_slice %arg4[%mul3A_24, %dma_wait3A_44] : memref<4096x128xf32, #tpu.memory_space<hbm>> -> memref<128x128xf32, #tpu.memory_space<hbm>>
      %dma_wait3A_46 = arith.constant 0 : i32
      %dma_wait3A_47 = arith.constant 0 : i32
      %dma_wait3A_48 = tpu.memref_slice %arg6[%run_scoped3A, %dma_wait3A_46, %dma_wait3A_47] : memref<1x128x128xf32, #tpu.memory_space<vmem>> -> memref<1x128x128xf32, #tpu.memory_space<vmem>>
      %dma_wait3A_49 = tpu.memref_squeeze %dma_wait3A_48 : memref<1x128x128xf32, #tpu.memory_space<vmem>> -> memref<128x128xf32, #tpu.memory_space<vmem>>
      tpu.wait_dma2 semaphore(%run_scoped3A_25 : memref<!tpu.dma_semaphore, #tpu.memory_space<semaphore_mem>>) src(%dma_wait3A_49 : memref<128x128xf32, #tpu.memory_space<vmem>>) dst(%dma_wait3A_45 : memref<128x128xf32, #tpu.memory_space<hbm>>)
      tpu.yield
    }) : () -> ()
    return
  }
}

module attributes {stable_mosaic.version = 14 : i64} {
  func.func @_encode_body(%arg0: i32, %arg1: memref<1x3x224x224xf32, #tpu.memory_space<vmem>>, %arg2: memref<768x256xf32, #tpu.memory_space<vmem>>, %arg3: memref<1x256xf32, #tpu.memory_space<vmem>>, %arg4: memref<256x64xf32, #tpu.memory_space<vmem>>, %arg5: memref<1x64xf32, #tpu.memory_space<vmem>>, %arg6: memref<64x8192xf32, #tpu.memory_space<vmem>>, %arg7: memref<1x64x196xf32, #tpu.memory_space<vmem>>, %arg8: memref<1x1x256xi32, #tpu.memory_space<vmem>>, %arg9: memref<1x8192xf32, #tpu.memory_space<vmem>>) attributes {dimension_semantics = [#tpu.dimension_semantics<arbitrary>], iteration_bounds = array<i64: 16>, scalar_prefetch = 0 : i64, scratch_operands = 1 : i64, tpu.core_type = #tpu.core_type<tc>, window_params = [{transform_indices = @transform_0, window_bounds = array<i64: 1, 3, 224, 224>}, {pipeline_mode = #tpu.pipeline_mode<synchronous>, transform_indices = @transform_1, window_bounds = array<i64: 768, 256>}, {pipeline_mode = #tpu.pipeline_mode<synchronous>, transform_indices = @transform_2, window_bounds = array<i64: 1, 256>}, {pipeline_mode = #tpu.pipeline_mode<synchronous>, transform_indices = @transform_3, window_bounds = array<i64: 256, 64>}, {pipeline_mode = #tpu.pipeline_mode<synchronous>, transform_indices = @transform_4, window_bounds = array<i64: 1, 64>}, {pipeline_mode = #tpu.pipeline_mode<synchronous>, transform_indices = @transform_5, window_bounds = array<i64: 64, 8192>}, {transform_indices = @transform_6, window_bounds = array<i64: 1, 64, 196>}, {transform_indices = @transform_7, window_bounds = array<i64: 1, 1, 256>}]} {
    %eq3A = arith.constant 0 : i32
    %eq3A_0 = arith.cmpi eq, %arg0, %eq3A : i32
    %convert_element_type3A = arith.extui %eq3A_0 : i1 to i32
    %cond3A = arith.constant 0 : i32
    %cond3A_1 = arith.cmpi ne, %convert_element_type3A, %cond3A : i32
    scf.if %cond3A_1 {
      %get3A_63 = arith.constant 0 : index
      %get3A_64 = arith.constant 0 : index
      %get3A_65 = vector.load %arg6[%get3A_63, %get3A_64] : memref<64x8192xf32, #tpu.memory_space<vmem>>, vector<64x8192xf32>
      %mul3A_66 = arith.mulf %get3A_65, %get3A_65 : vector<64x8192xf32>
      %reduce_sum3A_67 = arith.constant dense<0.000000e+00> : vector<8192xf32>
      %reduce_sum3A_68 = vector.multi_reduction <add>, %mul3A_66, %reduce_sum3A_67 [0] : vector<64x8192xf32> to vector<8192xf32>
      %broadcast_in_dim3A_69 = vector.shape_cast %reduce_sum3A_68 : vector<8192xf32> to vector<1x8192xf32>
      %swap3A_70 = arith.constant 0 : index
      %swap3A_71 = arith.constant 0 : index
      %swap3A_72 = vector.load %arg9[%swap3A_70, %swap3A_71] : memref<1x8192xf32, #tpu.memory_space<vmem>>, vector<1x8192xf32>
      tpu.vector_store %arg9[%swap3A_70, %swap3A_71], %broadcast_in_dim3A_69 {strides = array<i32>} : memref<1x8192xf32, #tpu.memory_space<vmem>>, vector<1x8192xf32>,
    } else {
    }
    %get3A = arith.constant 0 : index
    %get3A_2 = arith.constant 0 : index
    %get3A_3 = arith.constant 0 : index
    %get3A_4 = arith.constant 0 : index
    %get3A_5 = vector.load %arg1[%get3A, %get3A_2, %get3A_3, %get3A_4] : memref<1x3x224x224xf32, #tpu.memory_space<vmem>>, vector<1x3x224x224xf32>
    %get3A_6 = vector.shape_cast %get3A_5 : vector<1x3x224x224xf32> to vector<3x224x224xf32>
    %reshape3A = vector.shape_cast %get3A_6 : vector<3x224x224xf32> to vector<3x14x16x14x16xf32>
    %transpose3A = tpu.transpose %reshape3A, [1, 3, 0, 2, 4] : vector<3x14x16x14x16xf32> -> vector<14x14x3x16x16xf32>
    %reshape3A_7 = vector.shape_cast %transpose3A : vector<14x14x3x16x16xf32> to vector<196x768xf32>
    %get3A_8 = arith.constant 0 : index
    %get3A_9 = arith.constant 0 : index
    %get3A_10 = vector.load %arg2[%get3A_8, %get3A_9] : memref<768x256xf32, #tpu.memory_space<vmem>>, vector<768x256xf32>
    %dot_general3A = arith.constant dense<0.000000e+00> : vector<196x256xf32>
    %dot_general3A_11 = tpu.matmul %reshape3A_7, %get3A_10, %dot_general3A {dimension_numbers = #tpu.dot_dimension_numbers<[1], [0], [0], [1], [0, 0, 1, 1], [], []>, transpose_lhs_hint = false} : vector<196x768xf32>, vector<768x256xf32>, vector<196x256xf32> -> vector<196x256xf32>
    %get3A_12 = arith.constant 0 : index
    %get3A_13 = arith.constant 0 : index
    %get3A_14 = vector.load %arg3[%get3A_12, %get3A_13] : memref<1x256xf32, #tpu.memory_space<vmem>>, vector<1x256xf32>
    %add3A = vector.broadcast %get3A_14 : vector<1x256xf32> to vector<196x256xf32>
    %add3A_15 = arith.addf %dot_general3A_11, %add3A : vector<196x256xf32>
    %get3A_16 = arith.constant 0 : index
    %get3A_17 = arith.constant 0 : index
    %get3A_18 = vector.load %arg4[%get3A_16, %get3A_17] : memref<256x64xf32, #tpu.memory_space<vmem>>, vector<256x64xf32>
    %dot_general3A_19 = arith.constant dense<0.000000e+00> : vector<196x64xf32>
    %dot_general3A_20 = tpu.matmul %add3A_15, %get3A_18, %dot_general3A_19 {dimension_numbers = #tpu.dot_dimension_numbers<[1], [0], [0], [1], [0, 0, 1, 1], [], []>, transpose_lhs_hint = false} : vector<196x256xf32>, vector<256x64xf32>, vector<196x64xf32> -> vector<196x64xf32>
    %get3A_21 = arith.constant 0 : index
    %get3A_22 = arith.constant 0 : index
    %get3A_23 = vector.load %arg5[%get3A_21, %get3A_22] : memref<1x64xf32, #tpu.memory_space<vmem>>, vector<1x64xf32>
    %add3A_24 = vector.broadcast %get3A_23 : vector<1x64xf32> to vector<196x64xf32>
    %add3A_25 = arith.addf %dot_general3A_20, %add3A_24 : vector<196x64xf32>
    %transpose3A_26 = tpu.transpose %add3A_25, [1, 0] : vector<196x64xf32> -> vector<64x196xf32>
    %swap3A = arith.constant 0 : index
    %swap3A_27 = arith.constant 0 : index
    %swap3A_28 = arith.constant 0 : index
    %swap3A_29 = vector.load %arg7[%swap3A, %swap3A_27, %swap3A_28] : memref<1x64x196xf32, #tpu.memory_space<vmem>>, vector<1x64x196xf32>
    %swap3A_30 = vector.shape_cast %swap3A_29 : vector<1x64x196xf32> to vector<64x196xf32>
    %swap3A_31 = vector.shape_cast %transpose3A_26 : vector<64x196xf32> to vector<1x64x196xf32>
    tpu.vector_store %arg7[%swap3A, %swap3A_27, %swap3A_28], %swap3A_31 {strides = array<i32>} : memref<1x64x196xf32, #tpu.memory_space<vmem>>, vector<1x64x196xf32>,
    %mul3A = arith.mulf %add3A_25, %add3A_25 : vector<196x64xf32>
    %reduce_sum3A = arith.constant dense<0.000000e+00> : vector<196xf32>
    %reduce_sum3A_32 = vector.multi_reduction <add>, %mul3A, %reduce_sum3A [1] : vector<196x64xf32> to vector<196xf32>
    %broadcast_in_dim3A = vector.shape_cast %reduce_sum3A_32 : vector<196xf32> to vector<196x1xf32>
    %get3A_33 = arith.constant 0 : index
    %get3A_34 = arith.constant 0 : index
    %get3A_35 = vector.load %arg6[%get3A_33, %get3A_34] : memref<64x8192xf32, #tpu.memory_space<vmem>>, vector<64x8192xf32>
    %dot_general3A_36 = arith.constant dense<0.000000e+00> : vector<196x8192xf32>
    %dot_general3A_37 = tpu.matmul %add3A_25, %get3A_35, %dot_general3A_36 {dimension_numbers = #tpu.dot_dimension_numbers<[1], [0], [0], [1], [0, 0, 1, 1], [], []>, transpose_lhs_hint = false} : vector<196x64xf32>, vector<64x8192xf32>, vector<196x8192xf32> -> vector<196x8192xf32>
    %get3A_38 = arith.constant 0 : index
    %get3A_39 = arith.constant 0 : index
    %get3A_40 = vector.load %arg9[%get3A_38, %get3A_39] : memref<1x8192xf32, #tpu.memory_space<vmem>>, vector<1x8192xf32>
    %add3A_41 = vector.broadcast %broadcast_in_dim3A : vector<196x1xf32> to vector<196x8192xf32>
    %add3A_42 = vector.broadcast %get3A_40 : vector<1x8192xf32> to vector<196x8192xf32>
    %add3A_43 = arith.addf %add3A_41, %add3A_42 : vector<196x8192xf32>
    %mul3A_44 = arith.constant 2.000000e+00 : f32
    %mul3A_45 = vector.broadcast %mul3A_44 : f32 to vector<196x8192xf32>
    %mul3A_46 = arith.mulf %mul3A_45, %dot_general3A_37 : vector<196x8192xf32>
    %sub3A = arith.subf %add3A_43, %mul3A_46 : vector<196x8192xf32>
    %reduce_min3A = arith.constant dense<0x7F800000> : vector<196xf32>
    %reduce_min3A_47 = vector.multi_reduction <minimumf>, %sub3A, %reduce_min3A [1] : vector<196x8192xf32> to vector<196xf32>
    %broadcast_in_dim3A_48 = vector.shape_cast %reduce_min3A_47 : vector<196xf32> to vector<196x1xf32>
    %iota3A = tpu.iota {dimensions = array<i32: 1>} : vector<196x8192xi32>
    %eq3A_49 = vector.broadcast %broadcast_in_dim3A_48 : vector<196x1xf32> to vector<196x8192xf32>
    %eq3A_50 = arith.cmpf oeq, %sub3A, %eq3A_49 : vector<196x8192xf32>
    %jit3A = arith.constant 8192 : i32
    %broadcast_in_dim3A_51 = vector.broadcast %jit3A : i32 to vector<196x8192xi32>
    %select_n3A = arith.select %eq3A_50, %iota3A, %broadcast_in_dim3A_51 : vector<196x8192xi1>, vector<196x8192xi32>
    %reduce_min3A_52 = arith.constant dense<2147483647> : vector<196xi32>
    %reduce_min3A_53 = vector.multi_reduction <minsi>, %select_n3A, %reduce_min3A_52 [1] : vector<196x8192xi32> to vector<196xi32>
    %broadcast_in_dim3A_54 = vector.shape_cast %reduce_min3A_53 : vector<196xi32> to vector<196x1xi32>
    %iota3A_55 = tpu.iota {dimensions = array<i32: 1>} : vector<1x60xi32>
    %transpose3A_56 = tpu.transpose %broadcast_in_dim3A_54, [1, 0] : vector<196x1xi32> -> vector<1x196xi32>
    %concatenate3A = tpu.concatenate %transpose3A_56, %iota3A_55 in 1 : vector<1x196xi32>, vector<1x60xi32> -> vector<1x256xi32>
    %swap3A_57 = arith.constant 0 : index
    %swap3A_58 = arith.constant 0 : index
    %swap3A_59 = arith.constant 0 : index
    %swap3A_60 = vector.load %arg8[%swap3A_57, %swap3A_58, %swap3A_59] : memref<1x1x256xi32, #tpu.memory_space<vmem>>, vector<1x1x256xi32>
    %swap3A_61 = vector.shape_cast %swap3A_60 : vector<1x1x256xi32> to vector<1x256xi32>
    %swap3A_62 = vector.shape_cast %concatenate3A : vector<1x256xi32> to vector<1x1x256xi32>
    tpu.vector_store %arg8[%swap3A_57, %swap3A_58, %swap3A_59], %swap3A_62 {strides = array<i32>} : memref<1x1x256xi32, #tpu.memory_space<vmem>>, vector<1x1x256xi32>,
    return
  }
  func.func @transform_0(%arg0: i32) -> (i32, i32, i32, i32) {
    %add3A = arith.constant 0 : i32
    %add3A_0 = arith.addi %arg0, %add3A : i32
    %c0_i32 = arith.constant 0 : i32
    %c0_i32_1 = arith.constant 0 : i32
    %c0_i32_2 = arith.constant 0 : i32
    %c0_i32_3 = arith.constant 0 : i32
    return %add3A_0, %c0_i32, %c0_i32_1, %c0_i32_2 : i32, i32, i32, i32
  }
  func.func @transform_1(%arg0: i32) -> (i32, i32) {
    %c0_i32 = arith.constant 0 : i32
    %c0_i32_0 = arith.constant 0 : i32
    %c0_i32_1 = arith.constant 0 : i32
    return %c0_i32, %c0_i32_0 : i32, i32
  }
  func.func @transform_2(%arg0: i32) -> (i32, i32) {
    %c0_i32 = arith.constant 0 : i32
    %c0_i32_0 = arith.constant 0 : i32
    %c0_i32_1 = arith.constant 0 : i32
    return %c0_i32, %c0_i32_0 : i32, i32
  }
  func.func @transform_3(%arg0: i32) -> (i32, i32) {
    %c0_i32 = arith.constant 0 : i32
    %c0_i32_0 = arith.constant 0 : i32
    %c0_i32_1 = arith.constant 0 : i32
    return %c0_i32, %c0_i32_0 : i32, i32
  }
  func.func @transform_4(%arg0: i32) -> (i32, i32) {
    %c0_i32 = arith.constant 0 : i32
    %c0_i32_0 = arith.constant 0 : i32
    %c0_i32_1 = arith.constant 0 : i32
    return %c0_i32, %c0_i32_0 : i32, i32
  }
  func.func @transform_5(%arg0: i32) -> (i32, i32) {
    %c0_i32 = arith.constant 0 : i32
    %c0_i32_0 = arith.constant 0 : i32
    %c0_i32_1 = arith.constant 0 : i32
    return %c0_i32, %c0_i32_0 : i32, i32
  }
  func.func @transform_6(%arg0: i32) -> (i32, i32, i32) {
    %add3A = arith.constant 0 : i32
    %add3A_0 = arith.addi %arg0, %add3A : i32
    %c0_i32 = arith.constant 0 : i32
    %c0_i32_1 = arith.constant 0 : i32
    %c0_i32_2 = arith.constant 0 : i32
    return %add3A_0, %c0_i32, %c0_i32_1 : i32, i32, i32
  }
  func.func @transform_7(%arg0: i32) -> (i32, i32, i32) {
    %c0_i32 = arith.constant 0 : i32
    %c0_i32_0 = arith.constant 0 : i32
    %c0_i32_1 = arith.constant 0 : i32
    return %arg0, %c0_i32, %c0_i32_0 : i32, i32, i32
  }
}

module attributes {stable_mosaic.version = 14 : i64} {
  func.func @_encode_body_alias(%arg0: i32, %arg1: memref<1x3x224x224xf32, #tpu.memory_space<vmem>>, %arg2: memref<768x256xf32, #tpu.memory_space<vmem>>, %arg3: memref<1x256xf32, #tpu.memory_space<vmem>>, %arg4: memref<256x64xf32, #tpu.memory_space<vmem>>, %arg5: memref<1x64xf32, #tpu.memory_space<vmem>>, %arg6: memref<64x8192xf32, #tpu.memory_space<vmem>>, %arg7: memref<32x64x196xf32, #tpu.memory_space<hbm>>, %arg8: memref<1x64x196xf32, #tpu.memory_space<vmem>>, %arg9: memref<1x1x256xi32, #tpu.memory_space<vmem>>, %arg10: memref<1x8192xf32, #tpu.memory_space<vmem>>) attributes {dimension_semantics = [#tpu.dimension_semantics<arbitrary>], iteration_bounds = array<i64: 16>, scalar_prefetch = 0 : i64, scratch_operands = 1 : i64, tpu.core_type = #tpu.core_type<tc>, window_params = [{transform_indices = @transform_0, window_bounds = array<i64: 1, 3, 224, 224>}, {pipeline_mode = #tpu.pipeline_mode<synchronous>, transform_indices = @transform_1, window_bounds = array<i64: 768, 256>}, {pipeline_mode = #tpu.pipeline_mode<synchronous>, transform_indices = @transform_2, window_bounds = array<i64: 1, 256>}, {pipeline_mode = #tpu.pipeline_mode<synchronous>, transform_indices = @transform_3, window_bounds = array<i64: 256, 64>}, {pipeline_mode = #tpu.pipeline_mode<synchronous>, transform_indices = @transform_4, window_bounds = array<i64: 1, 64>}, {pipeline_mode = #tpu.pipeline_mode<synchronous>, transform_indices = @transform_5, window_bounds = array<i64: 64, 8192>}, {}, {transform_indices = @transform_7, window_bounds = array<i64: 1, 64, 196>}, {transform_indices = @transform_8, window_bounds = array<i64: 1, 1, 256>}]} {
    %eq3A = arith.constant 0 : i32
    %eq3A_0 = arith.cmpi eq, %arg0, %eq3A : i32
    %convert_element_type3A = arith.extui %eq3A_0 : i1 to i32
    %cond3A = arith.constant 0 : i32
    %cond3A_1 = arith.cmpi ne, %convert_element_type3A, %cond3A : i32
    scf.if %cond3A_1 {
      %get3A_63 = arith.constant 0 : index
      %get3A_64 = arith.constant 0 : index
      %get3A_65 = vector.load %arg6[%get3A_63, %get3A_64] : memref<64x8192xf32, #tpu.memory_space<vmem>>, vector<64x8192xf32>
      %mul3A_66 = arith.mulf %get3A_65, %get3A_65 : vector<64x8192xf32>
      %reduce_sum3A_67 = arith.constant dense<0.000000e+00> : vector<8192xf32>
      %reduce_sum3A_68 = vector.multi_reduction <add>, %mul3A_66, %reduce_sum3A_67 [0] : vector<64x8192xf32> to vector<8192xf32>
      %broadcast_in_dim3A_69 = vector.shape_cast %reduce_sum3A_68 : vector<8192xf32> to vector<1x8192xf32>
      %swap3A_70 = arith.constant 0 : index
      %swap3A_71 = arith.constant 0 : index
      %swap3A_72 = vector.load %arg10[%swap3A_70, %swap3A_71] : memref<1x8192xf32, #tpu.memory_space<vmem>>, vector<1x8192xf32>
      tpu.vector_store %arg10[%swap3A_70, %swap3A_71], %broadcast_in_dim3A_69 {strides = array<i32>} : memref<1x8192xf32, #tpu.memory_space<vmem>>, vector<1x8192xf32>,
    } else {
    }
    %get3A = arith.constant 0 : index
    %get3A_2 = arith.constant 0 : index
    %get3A_3 = arith.constant 0 : index
    %get3A_4 = arith.constant 0 : index
    %get3A_5 = vector.load %arg1[%get3A, %get3A_2, %get3A_3, %get3A_4] : memref<1x3x224x224xf32, #tpu.memory_space<vmem>>, vector<1x3x224x224xf32>
    %get3A_6 = vector.shape_cast %get3A_5 : vector<1x3x224x224xf32> to vector<3x224x224xf32>
    %reshape3A = vector.shape_cast %get3A_6 : vector<3x224x224xf32> to vector<3x14x16x14x16xf32>
    %transpose3A = tpu.transpose %reshape3A, [1, 3, 0, 2, 4] : vector<3x14x16x14x16xf32> -> vector<14x14x3x16x16xf32>
    %reshape3A_7 = vector.shape_cast %transpose3A : vector<14x14x3x16x16xf32> to vector<196x768xf32>
    %get3A_8 = arith.constant 0 : index
    %get3A_9 = arith.constant 0 : index
    %get3A_10 = vector.load %arg2[%get3A_8, %get3A_9] : memref<768x256xf32, #tpu.memory_space<vmem>>, vector<768x256xf32>
    %dot_general3A = arith.constant dense<0.000000e+00> : vector<196x256xf32>
    %dot_general3A_11 = tpu.matmul %reshape3A_7, %get3A_10, %dot_general3A {dimension_numbers = #tpu.dot_dimension_numbers<[1], [0], [0], [1], [0, 0, 1, 1], [], []>, transpose_lhs_hint = false} : vector<196x768xf32>, vector<768x256xf32>, vector<196x256xf32> -> vector<196x256xf32>
    %get3A_12 = arith.constant 0 : index
    %get3A_13 = arith.constant 0 : index
    %get3A_14 = vector.load %arg3[%get3A_12, %get3A_13] : memref<1x256xf32, #tpu.memory_space<vmem>>, vector<1x256xf32>
    %add3A = vector.broadcast %get3A_14 : vector<1x256xf32> to vector<196x256xf32>
    %add3A_15 = arith.addf %dot_general3A_11, %add3A : vector<196x256xf32>
    %get3A_16 = arith.constant 0 : index
    %get3A_17 = arith.constant 0 : index
    %get3A_18 = vector.load %arg4[%get3A_16, %get3A_17] : memref<256x64xf32, #tpu.memory_space<vmem>>, vector<256x64xf32>
    %dot_general3A_19 = arith.constant dense<0.000000e+00> : vector<196x64xf32>
    %dot_general3A_20 = tpu.matmul %add3A_15, %get3A_18, %dot_general3A_19 {dimension_numbers = #tpu.dot_dimension_numbers<[1], [0], [0], [1], [0, 0, 1, 1], [], []>, transpose_lhs_hint = false} : vector<196x256xf32>, vector<256x64xf32>, vector<196x64xf32> -> vector<196x64xf32>
    %get3A_21 = arith.constant 0 : index
    %get3A_22 = arith.constant 0 : index
    %get3A_23 = vector.load %arg5[%get3A_21, %get3A_22] : memref<1x64xf32, #tpu.memory_space<vmem>>, vector<1x64xf32>
    %add3A_24 = vector.broadcast %get3A_23 : vector<1x64xf32> to vector<196x64xf32>
    %add3A_25 = arith.addf %dot_general3A_20, %add3A_24 : vector<196x64xf32>
    %transpose3A_26 = tpu.transpose %add3A_25, [1, 0] : vector<196x64xf32> -> vector<64x196xf32>
    %swap3A = arith.constant 0 : index
    %swap3A_27 = arith.constant 0 : index
    %swap3A_28 = arith.constant 0 : index
    %swap3A_29 = vector.load %arg8[%swap3A, %swap3A_27, %swap3A_28] : memref<1x64x196xf32, #tpu.memory_space<vmem>>, vector<1x64x196xf32>
    %swap3A_30 = vector.shape_cast %swap3A_29 : vector<1x64x196xf32> to vector<64x196xf32>
    %swap3A_31 = vector.shape_cast %transpose3A_26 : vector<64x196xf32> to vector<1x64x196xf32>
    tpu.vector_store %arg8[%swap3A, %swap3A_27, %swap3A_28], %swap3A_31 {strides = array<i32>} : memref<1x64x196xf32, #tpu.memory_space<vmem>>, vector<1x64x196xf32>,
    %mul3A = arith.mulf %add3A_25, %add3A_25 : vector<196x64xf32>
    %reduce_sum3A = arith.constant dense<0.000000e+00> : vector<196xf32>
    %reduce_sum3A_32 = vector.multi_reduction <add>, %mul3A, %reduce_sum3A [1] : vector<196x64xf32> to vector<196xf32>
    %broadcast_in_dim3A = vector.shape_cast %reduce_sum3A_32 : vector<196xf32> to vector<196x1xf32>
    %get3A_33 = arith.constant 0 : index
    %get3A_34 = arith.constant 0 : index
    %get3A_35 = vector.load %arg6[%get3A_33, %get3A_34] : memref<64x8192xf32, #tpu.memory_space<vmem>>, vector<64x8192xf32>
    %dot_general3A_36 = arith.constant dense<0.000000e+00> : vector<196x8192xf32>
    %dot_general3A_37 = tpu.matmul %add3A_25, %get3A_35, %dot_general3A_36 {dimension_numbers = #tpu.dot_dimension_numbers<[1], [0], [0], [1], [0, 0, 1, 1], [], []>, transpose_lhs_hint = false} : vector<196x64xf32>, vector<64x8192xf32>, vector<196x8192xf32> -> vector<196x8192xf32>
    %get3A_38 = arith.constant 0 : index
    %get3A_39 = arith.constant 0 : index
    %get3A_40 = vector.load %arg10[%get3A_38, %get3A_39] : memref<1x8192xf32, #tpu.memory_space<vmem>>, vector<1x8192xf32>
    %add3A_41 = vector.broadcast %broadcast_in_dim3A : vector<196x1xf32> to vector<196x8192xf32>
    %add3A_42 = vector.broadcast %get3A_40 : vector<1x8192xf32> to vector<196x8192xf32>
    %add3A_43 = arith.addf %add3A_41, %add3A_42 : vector<196x8192xf32>
    %mul3A_44 = arith.constant 2.000000e+00 : f32
    %mul3A_45 = vector.broadcast %mul3A_44 : f32 to vector<196x8192xf32>
    %mul3A_46 = arith.mulf %mul3A_45, %dot_general3A_37 : vector<196x8192xf32>
    %sub3A = arith.subf %add3A_43, %mul3A_46 : vector<196x8192xf32>
    %reduce_min3A = arith.constant dense<0x7F800000> : vector<196xf32>
    %reduce_min3A_47 = vector.multi_reduction <minimumf>, %sub3A, %reduce_min3A [1] : vector<196x8192xf32> to vector<196xf32>
    %broadcast_in_dim3A_48 = vector.shape_cast %reduce_min3A_47 : vector<196xf32> to vector<196x1xf32>
    %iota3A = tpu.iota {dimensions = array<i32: 1>} : vector<196x8192xi32>
    %eq3A_49 = vector.broadcast %broadcast_in_dim3A_48 : vector<196x1xf32> to vector<196x8192xf32>
    %eq3A_50 = arith.cmpf oeq, %sub3A, %eq3A_49 : vector<196x8192xf32>
    %jit3A = arith.constant 8192 : i32
    %broadcast_in_dim3A_51 = vector.broadcast %jit3A : i32 to vector<196x8192xi32>
    %select_n3A = arith.select %eq3A_50, %iota3A, %broadcast_in_dim3A_51 : vector<196x8192xi1>, vector<196x8192xi32>
    %reduce_min3A_52 = arith.constant dense<2147483647> : vector<196xi32>
    %reduce_min3A_53 = vector.multi_reduction <minsi>, %select_n3A, %reduce_min3A_52 [1] : vector<196x8192xi32> to vector<196xi32>
    %broadcast_in_dim3A_54 = vector.shape_cast %reduce_min3A_53 : vector<196xi32> to vector<196x1xi32>
    %iota3A_55 = tpu.iota {dimensions = array<i32: 1>} : vector<1x60xi32>
    %transpose3A_56 = tpu.transpose %broadcast_in_dim3A_54, [1, 0] : vector<196x1xi32> -> vector<1x196xi32>
    %concatenate3A = tpu.concatenate %transpose3A_56, %iota3A_55 in 1 : vector<1x196xi32>, vector<1x60xi32> -> vector<1x256xi32>
    %swap3A_57 = arith.constant 0 : index
    %swap3A_58 = arith.constant 0 : index
    %swap3A_59 = arith.constant 0 : index
    %swap3A_60 = vector.load %arg9[%swap3A_57, %swap3A_58, %swap3A_59] : memref<1x1x256xi32, #tpu.memory_space<vmem>>, vector<1x1x256xi32>
    %swap3A_61 = vector.shape_cast %swap3A_60 : vector<1x1x256xi32> to vector<1x256xi32>
    %swap3A_62 = vector.shape_cast %concatenate3A : vector<1x256xi32> to vector<1x1x256xi32>
    tpu.vector_store %arg9[%swap3A_57, %swap3A_58, %swap3A_59], %swap3A_62 {strides = array<i32>} : memref<1x1x256xi32, #tpu.memory_space<vmem>>, vector<1x1x256xi32>,
    return
  }
  func.func @transform_0(%arg0: i32) -> (i32, i32, i32, i32) {
    %add3A = arith.constant 16 : i32
    %add3A_0 = arith.addi %arg0, %add3A : i32
    %c0_i32 = arith.constant 0 : i32
    %c0_i32_1 = arith.constant 0 : i32
    %c0_i32_2 = arith.constant 0 : i32
    %c0_i32_3 = arith.constant 0 : i32
    return %add3A_0, %c0_i32, %c0_i32_1, %c0_i32_2 : i32, i32, i32, i32
  }
  func.func @transform_1(%arg0: i32) -> (i32, i32) {
    %c0_i32 = arith.constant 0 : i32
    %c0_i32_0 = arith.constant 0 : i32
    %c0_i32_1 = arith.constant 0 : i32
    return %c0_i32, %c0_i32_0 : i32, i32
  }
  func.func @transform_2(%arg0: i32) -> (i32, i32) {
    %c0_i32 = arith.constant 0 : i32
    %c0_i32_0 = arith.constant 0 : i32
    %c0_i32_1 = arith.constant 0 : i32
    return %c0_i32, %c0_i32_0 : i32, i32
  }
  func.func @transform_3(%arg0: i32) -> (i32, i32) {
    %c0_i32 = arith.constant 0 : i32
    %c0_i32_0 = arith.constant 0 : i32
    %c0_i32_1 = arith.constant 0 : i32
    return %c0_i32, %c0_i32_0 : i32, i32
  }
  func.func @transform_4(%arg0: i32) -> (i32, i32) {
    %c0_i32 = arith.constant 0 : i32
    %c0_i32_0 = arith.constant 0 : i32
    %c0_i32_1 = arith.constant 0 : i32
    return %c0_i32, %c0_i32_0 : i32, i32
  }
  func.func @transform_5(%arg0: i32) -> (i32, i32) {
    %c0_i32 = arith.constant 0 : i32
    %c0_i32_0 = arith.constant 0 : i32
    %c0_i32_1 = arith.constant 0 : i32
    return %c0_i32, %c0_i32_0 : i32, i32
  }
  func.func @transform_7(%arg0: i32) -> (i32, i32, i32) {
    %add3A = arith.constant 16 : i32
    %add3A_0 = arith.addi %arg0, %add3A : i32
    %c0_i32 = arith.constant 0 : i32
    %c0_i32_1 = arith.constant 0 : i32
    %c0_i32_2 = arith.constant 0 : i32
    return %add3A_0, %c0_i32, %c0_i32_1 : i32, i32, i32
  }
  func.func @transform_8(%arg0: i32) -> (i32, i32, i32) {
    %c0_i32 = arith.constant 0 : i32
    %c0_i32_0 = arith.constant 0 : i32
    %c0_i32_1 = arith.constant 0 : i32
    return %arg0, %c0_i32, %c0_i32_0 : i32, i32, i32
  }
}

module attributes {stable_mosaic.version = 14 : i64} {
  func.func @_decode_body(%arg0: i32, %arg1: memref<1x256x128xf32, #tpu.memory_space<vmem>>, %arg2: memref<64x256xf32, #tpu.memory_space<vmem>>, %arg3: memref<1x256xf32, #tpu.memory_space<vmem>>, %arg4: memref<256x768xf32, #tpu.memory_space<vmem>>, %arg5: memref<1x768xf32, #tpu.memory_space<vmem>>, %arg6: memref<1x64x196xf32, #tpu.memory_space<vmem>>, %arg7: memref<1x3x224x224xf32, #tpu.memory_space<vmem>>) attributes {dimension_semantics = [#tpu.dimension_semantics<arbitrary>], iteration_bounds = array<i64: 16>, scalar_prefetch = 0 : i64, scratch_operands = 0 : i64, tpu.core_type = #tpu.core_type<tc>, window_params = [{transform_indices = @transform_0, window_bounds = array<i64: 1, 256, 128>}, {pipeline_mode = #tpu.pipeline_mode<synchronous>, transform_indices = @transform_1, window_bounds = array<i64: 64, 256>}, {pipeline_mode = #tpu.pipeline_mode<synchronous>, transform_indices = @transform_2, window_bounds = array<i64: 1, 256>}, {pipeline_mode = #tpu.pipeline_mode<synchronous>, transform_indices = @transform_3, window_bounds = array<i64: 256, 768>}, {pipeline_mode = #tpu.pipeline_mode<synchronous>, transform_indices = @transform_4, window_bounds = array<i64: 1, 768>}, {transform_indices = @transform_5, window_bounds = array<i64: 1, 64, 196>}, {transform_indices = @transform_6, window_bounds = array<i64: 1, 3, 224, 224>}]} {
    %get3A = arith.constant 0 : index
    %get3A_0 = arith.constant 0 : index
    %get3A_1 = arith.constant 0 : index
    %get3A_2 = vector.load %arg1[%get3A, %get3A_0, %get3A_1] : memref<1x256x128xf32, #tpu.memory_space<vmem>>, vector<1x196x64xf32>
    %get3A_3 = vector.shape_cast %get3A_2 : vector<1x196x64xf32> to vector<196x64xf32>
    %transpose3A = tpu.transpose %get3A_3, [1, 0] : vector<196x64xf32> -> vector<64x196xf32>
    %swap3A = arith.constant 0 : index
    %swap3A_4 = arith.constant 0 : index
    %swap3A_5 = arith.constant 0 : index
    %swap3A_6 = vector.load %arg6[%swap3A, %swap3A_4, %swap3A_5] : memref<1x64x196xf32, #tpu.memory_space<vmem>>, vector<1x64x196xf32>
    %swap3A_7 = vector.shape_cast %swap3A_6 : vector<1x64x196xf32> to vector<64x196xf32>
    %swap3A_8 = vector.shape_cast %transpose3A : vector<64x196xf32> to vector<1x64x196xf32>
    tpu.vector_store %arg6[%swap3A, %swap3A_4, %swap3A_5], %swap3A_8 {strides = array<i32>} : memref<1x64x196xf32, #tpu.memory_space<vmem>>, vector<1x64x196xf32>,
    %get3A_9 = arith.constant 0 : index
    %get3A_10 = arith.constant 0 : index
    %get3A_11 = vector.load %arg2[%get3A_9, %get3A_10] : memref<64x256xf32, #tpu.memory_space<vmem>>, vector<64x256xf32>
    %dot_general3A = arith.constant dense<0.000000e+00> : vector<196x256xf32>
    %dot_general3A_12 = tpu.matmul %get3A_3, %get3A_11, %dot_general3A {dimension_numbers = #tpu.dot_dimension_numbers<[1], [0], [0], [1], [0, 0, 1, 1], [], []>, transpose_lhs_hint = false} : vector<196x64xf32>, vector<64x256xf32>, vector<196x256xf32> -> vector<196x256xf32>
    %get3A_13 = arith.constant 0 : index
    %get3A_14 = arith.constant 0 : index
    %get3A_15 = vector.load %arg3[%get3A_13, %get3A_14] : memref<1x256xf32, #tpu.memory_space<vmem>>, vector<1x256xf32>
    %add3A = vector.broadcast %get3A_15 : vector<1x256xf32> to vector<196x256xf32>
    %add3A_16 = arith.addf %dot_general3A_12, %add3A : vector<196x256xf32>
    %get3A_17 = arith.constant 0 : index
    %get3A_18 = arith.constant 0 : index
    %get3A_19 = vector.load %arg4[%get3A_17, %get3A_18] : memref<256x768xf32, #tpu.memory_space<vmem>>, vector<256x768xf32>
    %dot_general3A_20 = arith.constant dense<0.000000e+00> : vector<196x768xf32>
    %dot_general3A_21 = tpu.matmul %add3A_16, %get3A_19, %dot_general3A_20 {dimension_numbers = #tpu.dot_dimension_numbers<[1], [0], [0], [1], [0, 0, 1, 1], [], []>, transpose_lhs_hint = false} : vector<196x256xf32>, vector<256x768xf32>, vector<196x768xf32> -> vector<196x768xf32>
    %get3A_22 = arith.constant 0 : index
    %get3A_23 = arith.constant 0 : index
    %get3A_24 = vector.load %arg5[%get3A_22, %get3A_23] : memref<1x768xf32, #tpu.memory_space<vmem>>, vector<1x768xf32>
    %add3A_25 = vector.broadcast %get3A_24 : vector<1x768xf32> to vector<196x768xf32>
    %add3A_26 = arith.addf %dot_general3A_21, %add3A_25 : vector<196x768xf32>
    %reshape3A = vector.shape_cast %add3A_26 : vector<196x768xf32> to vector<14x14x3x16x16xf32>
    %transpose3A_27 = tpu.transpose %reshape3A, [2, 0, 3, 1, 4] : vector<14x14x3x16x16xf32> -> vector<3x14x16x14x16xf32>
    %reshape3A_28 = vector.shape_cast %transpose3A_27 : vector<3x14x16x14x16xf32> to vector<3x224x224xf32>
    %swap3A_29 = arith.constant 0 : index
    %swap3A_30 = arith.constant 0 : index
    %swap3A_31 = arith.constant 0 : index
    %swap3A_32 = arith.constant 0 : index
    %swap3A_33 = vector.load %arg7[%swap3A_29, %swap3A_30, %swap3A_31, %swap3A_32] : memref<1x3x224x224xf32, #tpu.memory_space<vmem>>, vector<1x3x224x224xf32>
    %swap3A_34 = vector.shape_cast %swap3A_33 : vector<1x3x224x224xf32> to vector<3x224x224xf32>
    %swap3A_35 = vector.shape_cast %reshape3A_28 : vector<3x224x224xf32> to vector<1x3x224x224xf32>
    tpu.vector_store %arg7[%swap3A_29, %swap3A_30, %swap3A_31, %swap3A_32], %swap3A_35 {strides = array<i32>} : memref<1x3x224x224xf32, #tpu.memory_space<vmem>>, vector<1x3x224x224xf32>,
    return
  }
  func.func @transform_0(%arg0: i32) -> (i32, i32, i32) {
    %c0_i32 = arith.constant 0 : i32
    %c0_i32_0 = arith.constant 0 : i32
    %c0_i32_1 = arith.constant 0 : i32
    return %arg0, %c0_i32, %c0_i32_0 : i32, i32, i32
  }
  func.func @transform_1(%arg0: i32) -> (i32, i32) {
    %c0_i32 = arith.constant 0 : i32
    %c0_i32_0 = arith.constant 0 : i32
    %c0_i32_1 = arith.constant 0 : i32
    return %c0_i32, %c0_i32_0 : i32, i32
  }
  func.func @transform_2(%arg0: i32) -> (i32, i32) {
    %c0_i32 = arith.constant 0 : i32
    %c0_i32_0 = arith.constant 0 : i32
    %c0_i32_1 = arith.constant 0 : i32
    return %c0_i32, %c0_i32_0 : i32, i32
  }
  func.func @transform_3(%arg0: i32) -> (i32, i32) {
    %c0_i32 = arith.constant 0 : i32
    %c0_i32_0 = arith.constant 0 : i32
    %c0_i32_1 = arith.constant 0 : i32
    return %c0_i32, %c0_i32_0 : i32, i32
  }
  func.func @transform_4(%arg0: i32) -> (i32, i32) {
    %c0_i32 = arith.constant 0 : i32
    %c0_i32_0 = arith.constant 0 : i32
    %c0_i32_1 = arith.constant 0 : i32
    return %c0_i32, %c0_i32_0 : i32, i32
  }
  func.func @transform_5(%arg0: i32) -> (i32, i32, i32) {
    %add3A = arith.constant 0 : i32
    %add3A_0 = arith.addi %arg0, %add3A : i32
    %c0_i32 = arith.constant 0 : i32
    %c0_i32_1 = arith.constant 0 : i32
    %c0_i32_2 = arith.constant 0 : i32
    return %add3A_0, %c0_i32, %c0_i32_1 : i32, i32, i32
  }
  func.func @transform_6(%arg0: i32) -> (i32, i32, i32, i32) {
    %add3A = arith.constant 0 : i32
    %add3A_0 = arith.addi %arg0, %add3A : i32
    %c0_i32 = arith.constant 0 : i32
    %c0_i32_1 = arith.constant 0 : i32
    %c0_i32_2 = arith.constant 0 : i32
    %c0_i32_3 = arith.constant 0 : i32
    return %add3A_0, %c0_i32, %c0_i32_1, %c0_i32_2 : i32, i32, i32, i32
  }
}

module attributes {stable_mosaic.version = 14 : i64} {
  func.func @_decode_body_alias(%arg0: i32, %arg1: memref<1x256x128xf32, #tpu.memory_space<vmem>>, %arg2: memref<64x256xf32, #tpu.memory_space<vmem>>, %arg3: memref<1x256xf32, #tpu.memory_space<vmem>>, %arg4: memref<256x768xf32, #tpu.memory_space<vmem>>, %arg5: memref<1x768xf32, #tpu.memory_space<vmem>>, %arg6: memref<32x64x196xf32, #tpu.memory_space<hbm>>, %arg7: memref<32x3x224x224xf32, #tpu.memory_space<hbm>>, %arg8: memref<1x64x196xf32, #tpu.memory_space<vmem>>, %arg9: memref<1x3x224x224xf32, #tpu.memory_space<vmem>>) attributes {dimension_semantics = [#tpu.dimension_semantics<arbitrary>], iteration_bounds = array<i64: 16>, scalar_prefetch = 0 : i64, scratch_operands = 0 : i64, tpu.core_type = #tpu.core_type<tc>, window_params = [{transform_indices = @transform_0, window_bounds = array<i64: 1, 256, 128>}, {pipeline_mode = #tpu.pipeline_mode<synchronous>, transform_indices = @transform_1, window_bounds = array<i64: 64, 256>}, {pipeline_mode = #tpu.pipeline_mode<synchronous>, transform_indices = @transform_2, window_bounds = array<i64: 1, 256>}, {pipeline_mode = #tpu.pipeline_mode<synchronous>, transform_indices = @transform_3, window_bounds = array<i64: 256, 768>}, {pipeline_mode = #tpu.pipeline_mode<synchronous>, transform_indices = @transform_4, window_bounds = array<i64: 1, 768>}, {}, {}, {transform_indices = @transform_7, window_bounds = array<i64: 1, 64, 196>}, {transform_indices = @transform_8, window_bounds = array<i64: 1, 3, 224, 224>}]} {
    %get3A = arith.constant 0 : index
    %get3A_0 = arith.constant 0 : index
    %get3A_1 = arith.constant 0 : index
    %get3A_2 = vector.load %arg1[%get3A, %get3A_0, %get3A_1] : memref<1x256x128xf32, #tpu.memory_space<vmem>>, vector<1x196x64xf32>
    %get3A_3 = vector.shape_cast %get3A_2 : vector<1x196x64xf32> to vector<196x64xf32>
    %transpose3A = tpu.transpose %get3A_3, [1, 0] : vector<196x64xf32> -> vector<64x196xf32>
    %swap3A = arith.constant 0 : index
    %swap3A_4 = arith.constant 0 : index
    %swap3A_5 = arith.constant 0 : index
    %swap3A_6 = vector.load %arg8[%swap3A, %swap3A_4, %swap3A_5] : memref<1x64x196xf32, #tpu.memory_space<vmem>>, vector<1x64x196xf32>
    %swap3A_7 = vector.shape_cast %swap3A_6 : vector<1x64x196xf32> to vector<64x196xf32>
    %swap3A_8 = vector.shape_cast %transpose3A : vector<64x196xf32> to vector<1x64x196xf32>
    tpu.vector_store %arg8[%swap3A, %swap3A_4, %swap3A_5], %swap3A_8 {strides = array<i32>} : memref<1x64x196xf32, #tpu.memory_space<vmem>>, vector<1x64x196xf32>,
    %get3A_9 = arith.constant 0 : index
    %get3A_10 = arith.constant 0 : index
    %get3A_11 = vector.load %arg2[%get3A_9, %get3A_10] : memref<64x256xf32, #tpu.memory_space<vmem>>, vector<64x256xf32>
    %dot_general3A = arith.constant dense<0.000000e+00> : vector<196x256xf32>
    %dot_general3A_12 = tpu.matmul %get3A_3, %get3A_11, %dot_general3A {dimension_numbers = #tpu.dot_dimension_numbers<[1], [0], [0], [1], [0, 0, 1, 1], [], []>, transpose_lhs_hint = false} : vector<196x64xf32>, vector<64x256xf32>, vector<196x256xf32> -> vector<196x256xf32>
    %get3A_13 = arith.constant 0 : index
    %get3A_14 = arith.constant 0 : index
    %get3A_15 = vector.load %arg3[%get3A_13, %get3A_14] : memref<1x256xf32, #tpu.memory_space<vmem>>, vector<1x256xf32>
    %add3A = vector.broadcast %get3A_15 : vector<1x256xf32> to vector<196x256xf32>
    %add3A_16 = arith.addf %dot_general3A_12, %add3A : vector<196x256xf32>
    %get3A_17 = arith.constant 0 : index
    %get3A_18 = arith.constant 0 : index
    %get3A_19 = vector.load %arg4[%get3A_17, %get3A_18] : memref<256x768xf32, #tpu.memory_space<vmem>>, vector<256x768xf32>
    %dot_general3A_20 = arith.constant dense<0.000000e+00> : vector<196x768xf32>
    %dot_general3A_21 = tpu.matmul %add3A_16, %get3A_19, %dot_general3A_20 {dimension_numbers = #tpu.dot_dimension_numbers<[1], [0], [0], [1], [0, 0, 1, 1], [], []>, transpose_lhs_hint = false} : vector<196x256xf32>, vector<256x768xf32>, vector<196x768xf32> -> vector<196x768xf32>
    %get3A_22 = arith.constant 0 : index
    %get3A_23 = arith.constant 0 : index
    %get3A_24 = vector.load %arg5[%get3A_22, %get3A_23] : memref<1x768xf32, #tpu.memory_space<vmem>>, vector<1x768xf32>
    %add3A_25 = vector.broadcast %get3A_24 : vector<1x768xf32> to vector<196x768xf32>
    %add3A_26 = arith.addf %dot_general3A_21, %add3A_25 : vector<196x768xf32>
    %reshape3A = vector.shape_cast %add3A_26 : vector<196x768xf32> to vector<14x14x3x16x16xf32>
    %transpose3A_27 = tpu.transpose %reshape3A, [2, 0, 3, 1, 4] : vector<14x14x3x16x16xf32> -> vector<3x14x16x14x16xf32>
    %reshape3A_28 = vector.shape_cast %transpose3A_27 : vector<3x14x16x14x16xf32> to vector<3x224x224xf32>
    %swap3A_29 = arith.constant 0 : index
    %swap3A_30 = arith.constant 0 : index
    %swap3A_31 = arith.constant 0 : index
    %swap3A_32 = arith.constant 0 : index
    %swap3A_33 = vector.load %arg9[%swap3A_29, %swap3A_30, %swap3A_31, %swap3A_32] : memref<1x3x224x224xf32, #tpu.memory_space<vmem>>, vector<1x3x224x224xf32>
    %swap3A_34 = vector.shape_cast %swap3A_33 : vector<1x3x224x224xf32> to vector<3x224x224xf32>
    %swap3A_35 = vector.shape_cast %reshape3A_28 : vector<3x224x224xf32> to vector<1x3x224x224xf32>
    tpu.vector_store %arg9[%swap3A_29, %swap3A_30, %swap3A_31, %swap3A_32], %swap3A_35 {strides = array<i32>} : memref<1x3x224x224xf32, #tpu.memory_space<vmem>>, vector<1x3x224x224xf32>,
    return
  }
  func.func @transform_0(%arg0: i32) -> (i32, i32, i32) {
    %c0_i32 = arith.constant 0 : i32
    %c0_i32_0 = arith.constant 0 : i32
    %c0_i32_1 = arith.constant 0 : i32
    return %arg0, %c0_i32, %c0_i32_0 : i32, i32, i32
  }
  func.func @transform_1(%arg0: i32) -> (i32, i32) {
    %c0_i32 = arith.constant 0 : i32
    %c0_i32_0 = arith.constant 0 : i32
    %c0_i32_1 = arith.constant 0 : i32
    return %c0_i32, %c0_i32_0 : i32, i32
  }
  func.func @transform_2(%arg0: i32) -> (i32, i32) {
    %c0_i32 = arith.constant 0 : i32
    %c0_i32_0 = arith.constant 0 : i32
    %c0_i32_1 = arith.constant 0 : i32
    return %c0_i32, %c0_i32_0 : i32, i32
  }
  func.func @transform_3(%arg0: i32) -> (i32, i32) {
    %c0_i32 = arith.constant 0 : i32
    %c0_i32_0 = arith.constant 0 : i32
    %c0_i32_1 = arith.constant 0 : i32
    return %c0_i32, %c0_i32_0 : i32, i32
  }
  func.func @transform_4(%arg0: i32) -> (i32, i32) {
    %c0_i32 = arith.constant 0 : i32
    %c0_i32_0 = arith.constant 0 : i32
    %c0_i32_1 = arith.constant 0 : i32
    return %c0_i32, %c0_i32_0 : i32, i32
  }
  func.func @transform_7(%arg0: i32) -> (i32, i32, i32) {
    %add3A = arith.constant 16 : i32
    %add3A_0 = arith.addi %arg0, %add3A : i32
    %c0_i32 = arith.constant 0 : i32
    %c0_i32_1 = arith.constant 0 : i32
    %c0_i32_2 = arith.constant 0 : i32
    return %add3A_0, %c0_i32, %c0_i32_1 : i32, i32, i32
  }
  func.func @transform_8(%arg0: i32) -> (i32, i32, i32, i32) {
    %add3A = arith.constant 16 : i32
    %add3A_0 = arith.addi %arg0, %add3A : i32
    %c0_i32 = arith.constant 0 : i32
    %c0_i32_1 = arith.constant 0 : i32
    %c0_i32_2 = arith.constant 0 : i32
    %c0_i32_3 = arith.constant 0 : i32
    return %add3A_0, %c0_i32, %c0_i32_1, %c0_i32_2 : i32, i32, i32, i32
  }
}

</mosaic_0001>

<sc_bundles>
// kernel: kernel.11.cloned.1.call-start
scs
__scs_entry_jumppad:
0x0: {  	(pc) =	sbr.rel $0x88, $3  }
0x1: {  	(tag) =	ssettag $0x0;
	lr =	simm.s32 $0x1  }
0x2: {  	[smem:$0x3F97] =	sst lr;
	_ =	strace $0xD0000000  }
0x3: {  	_ = 	snop  }
0x4: {  	_ = 	snop  }
0x5: {  	_ = 	snop  }
0x6: {  	_ = 	snop  }
0x7: {  	_ = 	snop  }
__scs_overlays_trampoline_lowered:
0x8: {  	[smem:$0x3FA6] =	sst s0  }
0x9: {  	[smem:$0x3FA7] =	sst s1  }
0xa: {  	[smem:$0x3FA8] =	sst s2  }
0xb: {  	[smem:$0x3FA9] =	sst s3  }
0xc: {  	[smem:$0x3FAA] =	sst s4  }
0xd: {  	[smem:$0x3FAB] =	sst s5  }
0xe: {  	[smem:$0x3FAC] =	sst s6  }
0xf: {  	[smem:$0x3FAD] =	sst s7  }
0x10: {  	[smem:$0x3FAE] =	sst s8  }
0x11: {  	[smem:$0x3FAF] =	sst s9;
	s0 =	simm.s32 @!p0 $0x0  }
0x12: {  	s1 =	sld [smem:$0x3F95];
	s0 =	simm.s32 @p0 $0x1  }
0x13: {  	[smem:$0x3FB0] =	sst s0;
	s0 =	simm.s32 @!p1 $0x0  }
0x14: {  	s2 =	sld [smem:$0x3F94];
	s0 =	simm.s32 @p1 $0x1  }
0x15: {  	[smem:$0x3FB1] =	sst s0;
	s0 =	simm.s32 @!p2 $0x0  }
0x16: {  	s3 =	sld [smem:$0x3FDB];
	s0 =	simm.s32 @p2 $0x1  }
0x17: {  	s4 =	simm.s32 $0x1BF5;
	[smem:$0x3FB3] =	sst s0  }
0x18: {  	s0 =	sld [smem:$0x3F96];
	_ =	swait.ge [sflag:s4], $0x0  }
0x19: {  	s7 =	sld [smem:$0x3F97]  }
0x1a: {  	s8 =	sadd.s32 $0xFFFFE003, lr  }
0x1b: {  	s9 =	sadd.s32 $0xFFFFFEF7, lr;
	s5 =	simm.s32 $0xFFFFFFFF;
	p2 =	slt.u32 s8, $0xFFFFF086  }
0x1c: {  	p1 =	slt.u32 s9, $0xF7A;
	s5 =	simm.s32 @!p2 $0x0  }
0x1d: {  	s5 =	simm.s32 @p1 $0x1;
	p0 =	seq.s32 s7, s2  }
0x1e: {  	s7 =	smul.u32 @!p0 $0xF7A, s2;
	p2 =	seq.s32 @!p0 s5, $0x0  }
0x1f: {  	s9 =	smul.u32 $0xF7A, s1;
	s8 =	simm.s32 @!p0 $0x1BF5;
	p2 =	por !p2, p0  }
0x20: {  	[sflag:s8] =	ssyncset.s32 @!p0 $0xFFFFF086;
	s6 =	sadd.s32 @!p0 s3, s7;
	s7 =	simm.s32 @!p0 $0x108  }
0x21: {  	s3 =	sadd.s32 s3, s9;
	s6 =	sadd.s32 @!p0 $0x88, s6;
	s7 =	simm.s32 @p2 $0x1082  }
0x22: {  	[simem:s7], [sflag:s8] =	dma.local @!p0 [hbm:s6], $0xF7A  }
0x23: {  	s9 =	sor.u32 $0xD0000000, s2;
	s6 =	simm.s32 $0x108;
	_ =	swait.ge @!p0 [sflag:s8], $0x0  }
0x24: {  	s3 =	sadd.s32 $0x88, s3;
	s6 =	simm.s32 @!p1 $0x1082;
	[sflag:s4] =	ssyncset.s32 $0xFFFFF086  }
0x25: {  	[simem:s6], [sflag:s4] =	dma.local [hbm:s3], $0xF7A  }
0x26: {  	[smem:$0x3F97] =	sst s1;
	(tag) =	ssettag s2;
	_ =	strace s9  }
0x27: {  	s1 =	sld [smem:$0x3FA7]  }
0x28: {  	s2 =	sld [smem:$0x3FA8]  }
0x29: {  	s4 =	sld [smem:$0x3FAA]  }
0x2a: {  	p0 =	seq.s32 s5, $0x0;
	s5 =	sld [smem:$0x3FAB]  }
0x2b: {  	s6 =	sld [smem:$0x3FAC]  }
0x2c: {  	s7 =	sld [smem:$0x3FAD]  }
0x2d: {  	s3 =	simm.s32 $0x108;
	s8 =	sld [smem:$0x3FAE]  }
0x2e: {  	s3 =	simm.s32 @!p0 $0x1082;
	s9 =	sld [smem:$0x3FAF]  }
0x2f: {  	lr =	sadd.s32 s0, s3;
	s0 =	sld [smem:$0x3FA6]  }
0x30: {  	s3 =	sld [smem:$0x3FA9]  }
0x31: {  	[smem:$0x3FB2] =	sst s10  }
0x32: {  	s10 =	sld [smem:$0x3FB0];
	_ =	sdelay $0x3  }
0x33: {  	p0 =	seq.s32 s10, $0x1;
	s10 =	sld [smem:$0x3FB2];
	_ =	sdelay $0x3  }
0x34: {  	[smem:$0x3FB2] =	sst s10  }
0x35: {  	s10 =	sld [smem:$0x3FB1];
	_ =	sdelay $0x3  }
0x36: {  	p1 =	seq.s32 s10, $0x1;
	s10 =	sld [smem:$0x3FB2];
	_ =	sdelay $0x3  }
0x37: {  	[smem:$0x3FB2] =	sst s10  }
0x38: {  	s10 =	sld [smem:$0x3FB3]  }
0x39: {  	_ = 	snop;
	(pc) =	sbr.ind lr, $3  }
0x3a: {  	_ = 	snop  }
0x3b: {  	_ = 	snop  }
0x3c: {  	p2 =	seq.s32 s10, $0x1;
	s10 =	sld [smem:$0x3FB2]  }
0x3d: {  	_ =	shalt  }
0x3e: {  	_ =	shalt  }
0x3f: {  	_ =	shalt  }
0x40: {  	_ =	shalt  }
0x41: {  	_ =	shalt  }
0x42: {  	_ =	shalt  }
0x43: {  	_ =	shalt  }
0x44: {  	_ =	shalt  }
0x45: {  	_ =	shalt  }
0x46: {  	_ =	shalt  }
0x47: {  	_ =	shalt  }
0x48: {  	_ =	shalt  }
0x49: {  	_ =	shalt  }
0x4a: {  	_ =	shalt  }
0x4b: {  	_ =	shalt  }
0x4c: {  	_ =	shalt  }
0x4d: {  	_ =	shalt  }
0x4e: {  	_ =	shalt  }
0x4f: {  	_ =	shalt  }
0x50: {  	_ =	shalt  }
0x51: {  	_ =	shalt  }
0x52: {  	_ =	shalt  }
0x53: {  	_ =	shalt  }
0x54: {  	_ =	shalt  }
0x55: {  	_ =	shalt  }
0x56: {  	_ =	shalt  }
0x57: {  	_ =	shalt  }
0x58: {  	_ =	shalt  }
0x59: {  	_ =	shalt  }
0x5a: {  	_ =	shalt  }
0x5b: {  	_ =	shalt  }
0x5c: {  	_ =	shalt  }
0x5d: {  	_ =	shalt  }
0x5e: {  	_ =	shalt  }
0x5f: {  	_ =	shalt  }
0x60: {  	_ =	shalt  }
0x61: {  	_ =	shalt  }
0x62: {  	_ =	shalt  }
0x63: {  	_ =	shalt  }
0x64: {  	_ =	shalt  }
0x65: {  	_ =	shalt  }
0x66: {  	_ =	shalt  }
0x67: {  	_ =	shalt  }
0x68: {  	_ =	shalt  }
0x69: {  	_ =	shalt  }
0x6a: {  	_ =	shalt  }
0x6b: {  	_ =	shalt  }
0x6c: {  	_ =	shalt  }
0x6d: {  	_ =	shalt  }
0x6e: {  	_ =	shalt  }
0x6f: {  	_ =	shalt  }
0x70: {  	_ =	shalt  }
0x71: {  	_ =	shalt  }
0x72: {  	_ =	shalt  }
0x73: {  	_ =	shalt  }
0x74: {  	_ =	shalt  }
0x75: {  	_ =	shalt  }
0x76: {  	_ =	shalt  }
0x77: {  	_ =	shalt  }
0x78: {  	_ =	shalt  }
0x79: {  	_ =	shalt  }
0x7a: {  	_ =	shalt  }
0x7b: {  	_ =	shalt  }
0x7c: {  	_ =	shalt  }
0x7d: {  	_ =	shalt  }
0x7e: {  	_ =	shalt  }
0x7f: {  	_ =	shalt  }
0x80: {  	_ =	shalt  }
0x81: {  	_ =	shalt  }
0x82: {  	_ =	shalt  }
0x83: {  	_ =	shalt  }
0x84: {  	_ =	shalt  }
0x85: {  	_ =	shalt  }
0x86: {  	_ =	shalt  }
0x87: {  	_ =	shalt  }
.Lfunc_end0:
.L_simem_size_0:
called_computation.1_lowered:
.L_overlay_start_0:
0x88: {  	s2 =	sld [smem:$0x3FD9]  }
0x89: {  	s3 =	sld [smem:$0x3FFE];
	_ =	sdelay $0x1  }
0x8a: {  	s1 =	srdreg.scid  }
0x8b: {  	s0 =	sand.u32 $0x1, s1  }
0x8c: {  	s15 =	sshll.u32 s0, $0xA;
	s2 =	sadd.s32 s3, s2  }
0x8d: {  	s2 =	sadd.s32 s2, s15  }
0x8e: {  	[smem:$0x3FBE] =	sst s2  }
0x8f: {  	_ = 	snop  }
0x90: {  	s2 =	sld [smem:$0x3FD0];
	_ =	sdelay $0x2  }
0x91: {  	s16 =	simm.s32 $0xB;
	s4 =	simm.s32 $0x10  }
0x92: {  	[smem:s4], [sflag:s16] =	dma.local [hbm:s2], $0x1  }
0x93: {  	_ =	swait.eq [sflag:s16], $0x1  }
0x94: {  	[sflag:s16] =	ssyncset.done $0x0  }
0x95: {  	[sflag:s16] =	ssyncadd.s32 $0xFFFFFFFF  }
0x96: {  	s17 =	sld [smem:$0x11];
	(tm) =	ssettm $0x1  }
0x97: {  	s18 =	sld [smem:$0x3FFB];
	_ =	sdelay $0x3  }
0x98: {  	_ =	strace s18  }
0x99: {  	s2 =	sld [smem:$0x3FFC];
	_ =	sdelay $0x3  }
0x9a: {  	_ =	strace s2  }
0x9b: {  	s2 =	sld [smem:$0x3FFD];
	_ =	sdelay $0x3  }
0x9c: {  	_ =	strace s2  }
0x9d: {  	_ =	strace $0x8FFFFFFF  }
0x9e: {  	s19 =	sld [smem:$0x3FDB];
	_ =	sdelay $0x1  }
0x9f: {  	s20 =	simm.s32 $_scs_section_size  }
0xa0: {  	s5 =	simm.s32 $_size__tile_overlayer_lowered;
	s6 =	simm.s32 $_tile_overlayer_lowered  }
0xa1: {  	s7 =	simm.s32 $0x1BFF;
	s21 =	sshll.u32 s6, $0x1;
	s4 =	sadd.s32 s20, s19  }
0xa2: {  	s22 =	simm.s32 $0x0;
	s5 =	sshll.u32 s5, $0x1;
	s6 =	sadd.s32 s21, s4  }
0xa3: {  	[timem:s22], [sflag:s7] =	dma.local [hbm:s6], s5  }
0xa4: {  	_ =	swait.ge [sflag:s7], s5  }
0xa5: {  	s5 =	ssub.s32 $0x0, s5;
	[sflag:s7] =	ssyncset.done $0x0  }
0xa6: {  	[sflag:s7] =	ssyncadd.s32 s5;
	_ =	sdelay $0x1  }
0xa7: {  	s23 =	simm.s32 $0x1B8B  }
0xa8: {  	_ =	swait.ge [sflag:s23], $0x1  }
0xa9: {  	[sflag:s23] =	ssyncset.done $0x0  }
0xaa: {  	[sflag:s23] =	ssyncadd.s32 $0xFFFFFFFF  }
0xab: {  	s5 =	sld [smem:$0x0]  }
0xac: {  	s6 =	sand.u32 $0xFFFFFFFE, s1  }
0xad: {  	p0 =	sne.s32 s1, s6  }
0xae: {  	s6 =	sshll.u32 @p0 s6, $0xE  }
0xaf: {  	s6 =	sadd.s32 @p0 $0x11B8D, s6;
	s7 =	sshll.u32 @p0 s5, $0x11  }
0xb0: {  	s6 =	sor.u32 @p0 s7, s6  }
0xb1: {  	[sflag:s6] =	ssyncadd.remote.s32 @p0 $0x1;
	_ =	sdelay $0x1  }
0xb2: {  	s6 =	simm.s32 @p0 $0x1B8D  }
0xb3: {  	_ =	swait.eq @p0 [sflag:s6], $0x1  }
0xb4: {  	[sflag:s6] =	ssyncadd.s32 @p0 $0xFFFFFFFF  }
0xb5: {  	s7 =	sshll.u32 @!p0 s1, $0xE  }
0xb6: {  	s7 =	sor.u32 @!p0 $0x4000, s7;
	s6 =	simm.s32 @!p0 $0x1B8D  }
0xb7: {  	s5 =	sshll.u32 @!p0 s5, $0x11;
	s7 =	sadd.s32 @!p0 $0x11B8D, s7;
	_ =	swait.eq @!p0 [sflag:s6], $0x1  }
0xb8: {  	s5 =	sor.u32 @!p0 s5, s7;
	[sflag:s6] =	ssyncadd.s32 @!p0 $0xFFFFFFFF  }
0xb9: {  	s25 =	simm.s32 $0x1B8E;
	s24 =	sld [smem:$0x3FFE];
	[sflag:s5] =	ssyncadd.remote.s32 @!p0 $0x1  }
0xba: {  	s26 =	simm.s32 $execute0_lowered;
	[smem:$0x3FD2] =	sst s25  }
0xbb: {  	s6 =	sshll.u32 s26, $0x1;
	_ =	strace $0x80000049;
	[dreg:$0x1] =	wrdreg $0xFFFFFFFF  }
0xbc: {  	s28 =	simm.s32 $_size_execute0_lowered;
	s4 =	sadd.s32 s4, s6;
	[dreg:$0x0] =	wrdreg $0x0  }
0xbd: {  	s6 =	sshll.u32 s28, $0x1;
	[dreg:$0x2] =	wrdreg s4  }
0xbe: {  	[dreg:$0x3] =	wrdreg s6  }
0xbf: {  	[dreg:$0x4] =	wrdreg $0xC0  }
0xc0: {  	_ =	task [dreg:s22], $0x5FFFF  }
0xc1: {  	[dreg:$0x1] =	wrdreg $0xFFFFFFFF  }
0xc2: {  	[dreg:$0x0] =	wrdreg $0x60  }
0xc3: {  	[dreg:$0x2] =	wrdreg s24  }
0xc4: {  	[dreg:$0x3] =	wrdreg s17  }
0xc5: {  	[dreg:$0x4] =	wrdreg $0xA  }
0xc6: {  	_ =	task.clear_ibuf [dreg:s22], $0x5FFFF;
	_ =	strace $0x90000049  }
0xc7: {  	s29 =	simm.s32 $0xA;
	_ =	strace $0x8000004B  }
0xc8: {  	_ =	swait.ge [sflag:s29], $0x1  }
0xc9: {  	[sflag:s29] =	ssyncadd.s32 $0xFFFFFFFF  }
0xca: {  	_ =	strace $0x9000004B  }
0xcb: {  	_ =	sfence  }
0xcc: {  	s30 =	sld [smem:$0x0];
	_ =	sdelay $0x2  }
0xcd: {  	s31 =	sshll.u32 s1, $0xD;
	s1 =	sshrl.u32 s1, $0x2  }
0xce: {  	s4 =	sand.u32 $0x4000, s31;
	s1 =	sadd.s32 s1, s30  }
0xcf: {  	s0 =	sor.u32 s4, s0;
	s1 =	sshll.u32 s1, $0x11  }
0xd0: {  	s0 =	sor.u32 s1, s0  }
0xd1: {  	s0 =	sadd.s32 $0x8F2B, s0  }
0xd2: {  	[sflag:s0] =	ssyncadd.remote.s32 $0x1  }
0xd3: {  	_ =	sfence.sel $0xFFFF  }
0xd4: {  	[dreg:$0x0] =	wrdreg $0xFFFFFFFF;
	(pc) =	sbr.abs _section_cstart, $3  }
0xd5: {  	[dreg:$0x1] =	wrdreg $0xFFFFFFFF  }
0xd6: {  	_ =	task.clear_ibuf [dreg:s22], $0x2FFFF;
	_ =	strace $0x9FFFFFFF  }
0xd7: {  	(tm) =	ssettm $0x7FFFFFFF  }
tec
execute0_lowered:
.L_overlay_start_1:
0x0: {  	(tag) =	ssettag $0x1  }
0x1: {  	s1 =	srdreg.scid;
	s0 =	stileid.u32  }
0x2: {  	s5 =	rddreg [dreg:$0x0];
	s6 =	sand.u32 $0x1, s1;
	s30 =	sshll.u32 s0, $0x1  }
0x3: {  	s8 =	rddreg [dreg:$0x1];
	s2 =	simm.s32 $0x0;
	s9 =	sor.u32 s6, s30  }
0x4: {  	[smem:$0x7FF] =	sst s2;
	s3 =	sshll.u32 s9, $0x4  }
0x5: {  	s1 =	rddreg [dreg:$0x2];
	_ =	strace $0x8000004A;
	s3 =	sadd.s32 s3, s5  }
0x6: {  	s10 =	ssub.s32 $0x2, s6;
	s4 =	sadd.s32 $0x22A00, s3;
	s3 =	simm.s32 $0x2  }
0x7: {  	[tilespmem:s2], [sflag:$0x2] =	stream.linear.gather [hbm4b:s4+s2], $0x80, $0x38;
	[tilespmem:$0x4080] =	vst v63  }
0x8: {  	s7 =	simm.s32 $0x1;
	s11 =	sshrl.u32 s10, $0x1;
	_ =	swait.ge [sflag:s3], $0x80  }
0x9: {  	s6 =	simm.s32 $0x80;
	s10 =	ssub.s32 s10, s11;
	[sflag:s3] =	ssyncset.done $0x0  }
0xa: {  	s5 =	sadd.s32 $0x2800, s5;
	s31 =	smax.u32 s10, $0x1;
	[sflag:s3] =	ssyncadd.s32 $0xFFFFFF80  }
0xb: {  	[tilespmem:s6], [sflag:$0x1] =	stream.indirect.gather [hbm4b:s5+s6], $0x80, s2, s6, $0xb8;
	[tilespmem:$0x4080] =	vst v63  }
0xc: {  	p0 =	sne.s32 s31, $0x1;
	_ =	swait.ge [sflag:s7], $0x4000  }
.Ltmp0:
0xd: {  	s9 =	sshll.u32 s9, $0xB;
	[sflag:s7] =	ssyncset.done $0x0;
	(pc) =	sbr.rel @!p0 .LBB2_2-.Ltmp0, $4  }
0xe: {  	s8 =	sadd.s32 s8, s9;
	[sflag:s7] =	ssyncadd.s32 $0xFFFFC000  }
0xf: {  	[hbm4b:s8+s2] =	stream.linear.scatter [tilespmem:s6], [sflag:$0x2], $0x4000, $0x38;
	[tilespmem:$0x4080] =	vst v63  }
0x10: {  	_ =	swait.ge [sflag:s3], $0x4000  }
0x11: {  	s9 =	sadd.s32 $0xFFFFFFFF, s31;
	[sflag:s3] =	ssyncset.done $0x0  }
.LBB2_1:
0x12: {  	p0 =	sne.s32 s9, $0x1;
	s9 =	sadd.s32 $0xFFFFFFFF, s9;
	[sflag:s3] =	ssyncadd.s32 $0xFFFFC000  }
0x13: {  	[tilespmem:s2], [sflag:$0x2] =	stream.linear.gather [hbm4b:s4+s2], $0x80, $0x38;
	[tilespmem:$0x4080] =	vst v63  }
0x14: {  	_ =	swait.ge [sflag:s3], $0x80  }
0x15: {  	[sflag:s3] =	ssyncset.done $0x0  }
0x16: {  	[sflag:s3] =	ssyncadd.s32 $0xFFFFFF80  }
0x17: {  	[tilespmem:s6], [sflag:$0x1] =	stream.indirect.gather [hbm4b:s5+s6], $0x80, s2, s6, $0xb8;
	[tilespmem:$0x4080] =	vst v63  }
0x18: {  	_ =	swait.ge [sflag:s7], $0x4000  }
.Ltmp1:
0x19: {  	[sflag:s7] =	ssyncset.done $0x0;
	(pc) =	sbr.rel @p0 .LBB2_1-.Ltmp1, $4  }
0x1a: {  	[sflag:s7] =	ssyncadd.s32 $0xFFFFC000  }
0x1b: {  	[hbm4b:s8+s2] =	stream.linear.scatter [tilespmem:s6], [sflag:$0x2], $0x4000, $0x38;
	[tilespmem:$0x4080] =	vst v63  }
0x1c: {  	_ =	swait.ge [sflag:s3], $0x4000  }
0x1d: {  	[sflag:s3] =	ssyncset.done $0x0  }
.LBB2_2:
0x1e: {  	[sflag:s3] =	ssyncadd.s32 $0xFFFFC000  }
0x1f: {  	_ =	sfence.sel $0x180000  }
0x20: {  	[bflag:$0x0] =	sbarrier.arrive $0xFFFF  }
0x21: {  	p0 =	sne.s32 s0, $0x0;
	_ =	strace $0x9000004A  }
0x22: {  	s0 =	sadd.s32 @!p0 $0x100000, s1;
	[bflag:$0x2] =	sbarrier.arrive $0xFFFF  }
0x23: {  	[sflag:s0] =	ssyncadd.tile.s32 @!p0 $0x1;
	_ =	shalt  }
.Lfunc_end2:
_tile_overlayer_lowered:
.L_overlay_start_2:
0x24: {  	(tag) =	ssettag $0x2  }
0x25: {  	s0 =	rddreg [dreg:$0x0];
	s2 =	stileid.u32  }
0x26: {  	s1 =	rddreg [dreg:$0x1];
	p0 =	sne.s32 s2, $0x0  }
0x27: {  	s3 =	rddreg [dreg:$0x2];
	[bflag:$0x3] =	sbarrier.arrive $0xFFFF;
	s2 =	simm.s32 @!p0 $0x1C02  }
0x28: {  	[timem:s3], [sflag:s2] =	dma.local @!p0 [hbm:s0], s1  }
0x29: {  	s0 =	simm.s32 @!p0 $0x2  }
0x2a: {  	_ =	swait.ge @!p0 [sflag:s0], s1  }
0x2b: {  	s1 =	ssub.s32 @!p0 $0x0, s1;
	[sflag:s0] =	ssyncset.done @!p0 $0x0  }
0x2c: {  	[sflag:s0] =	ssyncadd.s32 @!p0 s1  }
0x2d: {  	[bflag:$0x3] =	sbarrier.arrive $0xFFFF  }
0x2e: {  	_ =	shalt  }

// kernel: kernel.8.cloned.1.call-start
scs
__scs_entry_jumppad:
0x0: {  	(pc) =	sbr.rel $0x88, $3  }
0x1: {  	(tag) =	ssettag $0x0;
	lr =	simm.s32 $0x1  }
0x2: {  	[smem:$0x3F97] =	sst lr;
	_ =	strace $0xD0000000  }
0x3: {  	_ = 	snop  }
0x4: {  	_ = 	snop  }
0x5: {  	_ = 	snop  }
0x6: {  	_ = 	snop  }
0x7: {  	_ = 	snop  }
__scs_overlays_trampoline_lowered:
0x8: {  	[smem:$0x3FA6] =	sst s0  }
0x9: {  	[smem:$0x3FA7] =	sst s1  }
0xa: {  	[smem:$0x3FA8] =	sst s2  }
0xb: {  	[smem:$0x3FA9] =	sst s3  }
0xc: {  	[smem:$0x3FAA] =	sst s4  }
0xd: {  	[smem:$0x3FAB] =	sst s5  }
0xe: {  	[smem:$0x3FAC] =	sst s6  }
0xf: {  	[smem:$0x3FAD] =	sst s7  }
0x10: {  	[smem:$0x3FAE] =	sst s8  }
0x11: {  	[smem:$0x3FAF] =	sst s9;
	s0 =	simm.s32 @!p0 $0x0  }
0x12: {  	s1 =	sld [smem:$0x3F95];
	s0 =	simm.s32 @p0 $0x1  }
0x13: {  	[smem:$0x3FB0] =	sst s0;
	s0 =	simm.s32 @!p1 $0x0  }
0x14: {  	s2 =	sld [smem:$0x3F94];
	s0 =	simm.s32 @p1 $0x1  }
0x15: {  	[smem:$0x3FB1] =	sst s0;
	s0 =	simm.s32 @!p2 $0x0  }
0x16: {  	s3 =	sld [smem:$0x3FDB];
	s0 =	simm.s32 @p2 $0x1  }
0x17: {  	s4 =	simm.s32 $0x1BF5;
	[smem:$0x3FB3] =	sst s0  }
0x18: {  	s0 =	sld [smem:$0x3F96];
	_ =	swait.ge [sflag:s4], $0x0  }
0x19: {  	s7 =	sld [smem:$0x3F97]  }
0x1a: {  	s8 =	sadd.s32 $0xFFFFE003, lr  }
0x1b: {  	s9 =	sadd.s32 $0xFFFFFEF7, lr;
	s5 =	simm.s32 $0xFFFFFFFF;
	p2 =	slt.u32 s8, $0xFFFFF086  }
0x1c: {  	p1 =	slt.u32 s9, $0xF7A;
	s5 =	simm.s32 @!p2 $0x0  }
0x1d: {  	s5 =	simm.s32 @p1 $0x1;
	p0 =	seq.s32 s7, s2  }
0x1e: {  	s7 =	smul.u32 @!p0 $0xF7A, s2;
	p2 =	seq.s32 @!p0 s5, $0x0  }
0x1f: {  	s9 =	smul.u32 $0xF7A, s1;
	s8 =	simm.s32 @!p0 $0x1BF5;
	p2 =	por !p2, p0  }
0x20: {  	[sflag:s8] =	ssyncset.s32 @!p0 $0xFFFFF086;
	s6 =	sadd.s32 @!p0 s3, s7;
	s7 =	simm.s32 @!p0 $0x108  }
0x21: {  	s3 =	sadd.s32 s3, s9;
	s6 =	sadd.s32 @!p0 $0x88, s6;
	s7 =	simm.s32 @p2 $0x1082  }
0x22: {  	[simem:s7], [sflag:s8] =	dma.local @!p0 [hbm:s6], $0xF7A  }
0x23: {  	s9 =	sor.u32 $0xD0000000, s2;
	s6 =	simm.s32 $0x108;
	_ =	swait.ge @!p0 [sflag:s8], $0x0  }
0x24: {  	s3 =	sadd.s32 $0x88, s3;
	s6 =	simm.s32 @!p1 $0x1082;
	[sflag:s4] =	ssyncset.s32 $0xFFFFF086  }
0x25: {  	[simem:s6], [sflag:s4] =	dma.local [hbm:s3], $0xF7A  }
0x26: {  	[smem:$0x3F97] =	sst s1;
	(tag) =	ssettag s2;
	_ =	strace s9  }
0x27: {  	s1 =	sld [smem:$0x3FA7]  }
0x28: {  	s2 =	sld [smem:$0x3FA8]  }
0x29: {  	s4 =	sld [smem:$0x3FAA]  }
0x2a: {  	p0 =	seq.s32 s5, $0x0;
	s5 =	sld [smem:$0x3FAB]  }
0x2b: {  	s6 =	sld [smem:$0x3FAC]  }
0x2c: {  	s7 =	sld [smem:$0x3FAD]  }
0x2d: {  	s3 =	simm.s32 $0x108;
	s8 =	sld [smem:$0x3FAE]  }
0x2e: {  	s3 =	simm.s32 @!p0 $0x1082;
	s9 =	sld [smem:$0x3FAF]  }
0x2f: {  	lr =	sadd.s32 s0, s3;
	s0 =	sld [smem:$0x3FA6]  }
0x30: {  	s3 =	sld [smem:$0x3FA9]  }
0x31: {  	[smem:$0x3FB2] =	sst s10  }
0x32: {  	s10 =	sld [smem:$0x3FB0];
	_ =	sdelay $0x3  }
0x33: {  	p0 =	seq.s32 s10, $0x1;
	s10 =	sld [smem:$0x3FB2];
	_ =	sdelay $0x3  }
0x34: {  	[smem:$0x3FB2] =	sst s10  }
0x35: {  	s10 =	sld [smem:$0x3FB1];
	_ =	sdelay $0x3  }
0x36: {  	p1 =	seq.s32 s10, $0x1;
	s10 =	sld [smem:$0x3FB2];
	_ =	sdelay $0x3  }
0x37: {  	[smem:$0x3FB2] =	sst s10  }
0x38: {  	s10 =	sld [smem:$0x3FB3]  }
0x39: {  	_ = 	snop;
	(pc) =	sbr.ind lr, $3  }
0x3a: {  	_ = 	snop  }
0x3b: {  	_ = 	snop  }
0x3c: {  	p2 =	seq.s32 s10, $0x1;
	s10 =	sld [smem:$0x3FB2]  }
0x3d: {  	_ =	shalt  }
0x3e: {  	_ =	shalt  }
0x3f: {  	_ =	shalt  }
0x40: {  	_ =	shalt  }
0x41: {  	_ =	shalt  }
0x42: {  	_ =	shalt  }
0x43: {  	_ =	shalt  }
0x44: {  	_ =	shalt  }
0x45: {  	_ =	shalt  }
0x46: {  	_ =	shalt  }
0x47: {  	_ =	shalt  }
0x48: {  	_ =	shalt  }
0x49: {  	_ =	shalt  }
0x4a: {  	_ =	shalt  }
0x4b: {  	_ =	shalt  }
0x4c: {  	_ =	shalt  }
0x4d: {  	_ =	shalt  }
0x4e: {  	_ =	shalt  }
0x4f: {  	_ =	shalt  }
0x50: {  	_ =	shalt  }
0x51: {  	_ =	shalt  }
0x52: {  	_ =	shalt  }
0x53: {  	_ =	shalt  }
0x54: {  	_ =	shalt  }
0x55: {  	_ =	shalt  }
0x56: {  	_ =	shalt  }
0x57: {  	_ =	shalt  }
0x58: {  	_ =	shalt  }
0x59: {  	_ =	shalt  }
0x5a: {  	_ =	shalt  }
0x5b: {  	_ =	shalt  }
0x5c: {  	_ =	shalt  }
0x5d: {  	_ =	shalt  }
0x5e: {  	_ =	shalt  }
0x5f: {  	_ =	shalt  }
0x60: {  	_ =	shalt  }
0x61: {  	_ =	shalt  }
0x62: {  	_ =	shalt  }
0x63: {  	_ =	shalt  }
0x64: {  	_ =	shalt  }
0x65: {  	_ =	shalt  }
0x66: {  	_ =	shalt  }
0x67: {  	_ =	shalt  }
0x68: {  	_ =	shalt  }
0x69: {  	_ =	shalt  }
0x6a: {  	_ =	shalt  }
0x6b: {  	_ =	shalt  }
0x6c: {  	_ =	shalt  }
0x6d: {  	_ =	shalt  }
0x6e: {  	_ =	shalt  }
0x6f: {  	_ =	shalt  }
0x70: {  	_ =	shalt  }
0x71: {  	_ =	shalt  }
0x72: {  	_ =	shalt  }
0x73: {  	_ =	shalt  }
0x74: {  	_ =	shalt  }
0x75: {  	_ =	shalt  }
0x76: {  	_ =	shalt  }
0x77: {  	_ =	shalt  }
0x78: {  	_ =	shalt  }
0x79: {  	_ =	shalt  }
0x7a: {  	_ =	shalt  }
0x7b: {  	_ =	shalt  }
0x7c: {  	_ =	shalt  }
0x7d: {  	_ =	shalt  }
0x7e: {  	_ =	shalt  }
0x7f: {  	_ =	shalt  }
0x80: {  	_ =	shalt  }
0x81: {  	_ =	shalt  }
0x82: {  	_ =	shalt  }
0x83: {  	_ =	shalt  }
0x84: {  	_ =	shalt  }
0x85: {  	_ =	shalt  }
0x86: {  	_ =	shalt  }
0x87: {  	_ =	shalt  }
.Lfunc_end0:
.L_simem_size_0:
called_computation_lowered:
.L_overlay_start_0:
0x88: {  	s2 =	sld [smem:$0x3FD9]  }
0x89: {  	s3 =	sld [smem:$0x3FFE];
	_ =	sdelay $0x1  }
0x8a: {  	s1 =	srdreg.scid  }
0x8b: {  	s0 =	sand.u32 $0x1, s1  }
0x8c: {  	s14 =	sshll.u32 s0, $0xA;
	s2 =	sadd.s32 s3, s2  }
0x8d: {  	s2 =	sadd.s32 s2, s14  }
0x8e: {  	[smem:$0x3FBE] =	sst s2  }
0x8f: {  	_ = 	snop  }
0x90: {  	s2 =	sld [smem:$0x3FD0];
	_ =	sdelay $0x2  }
0x91: {  	s15 =	simm.s32 $0xB;
	s4 =	simm.s32 $0x10  }
0x92: {  	[smem:s4], [sflag:s15] =	dma.local [hbm:s2], $0x1  }
0x93: {  	_ =	swait.eq [sflag:s15], $0x1  }
0x94: {  	[sflag:s15] =	ssyncset.done $0x0  }
0x95: {  	[sflag:s15] =	ssyncadd.s32 $0xFFFFFFFF  }
0x96: {  	s16 =	sld [smem:$0x12];
	(tm) =	ssettm $0x1  }
0x97: {  	s17 =	sld [smem:$0x3FFB];
	_ =	sdelay $0x3  }
0x98: {  	_ =	strace s17  }
0x99: {  	s3 =	sld [smem:$0x3FFC];
	_ =	sdelay $0x3  }
0x9a: {  	_ =	strace s3  }
0x9b: {  	s3 =	sld [smem:$0x3FFD];
	_ =	sdelay $0x3  }
0x9c: {  	_ =	strace s3  }
0x9d: {  	_ =	strace $0x8FFFFFFF  }
0x9e: {  	s18 =	sld [smem:$0x3FDB];
	_ =	sdelay $0x1  }
0x9f: {  	s19 =	simm.s32 $_scs_section_size  }
0xa0: {  	s5 =	simm.s32 $_size__tile_overlayer_lowered;
	s6 =	simm.s32 $_tile_overlayer_lowered  }
0xa1: {  	s22 =	simm.s32 $0x1BFF;
	s21 =	sshll.u32 s6, $0x1;
	s3 =	sadd.s32 s19, s18  }
0xa2: {  	s7 =	simm.s32 $0x0;
	s20 =	sshll.u32 s5, $0x1;
	s5 =	sadd.s32 s21, s3  }
0xa3: {  	[timem:s7], [sflag:s22] =	dma.local [hbm:s5], s20  }
0xa4: {  	_ =	swait.ge [sflag:s22], s20  }
0xa5: {  	s4 =	ssub.s32 $0x0, s20;
	[sflag:s22] =	ssyncset.done $0x0  }
0xa6: {  	[sflag:s22] =	ssyncadd.s32 s4;
	_ =	sdelay $0x1  }
0xa7: {  	s23 =	simm.s32 $0x1B8B  }
0xa8: {  	_ =	swait.ge [sflag:s23], $0x1  }
0xa9: {  	[sflag:s23] =	ssyncset.done $0x0  }
0xaa: {  	s25 =	simm.s32 $0x1B8E;
	s24 =	sld [smem:$0x3FFE];
	[sflag:s23] =	ssyncadd.s32 $0xFFFFFFFF  }
0xab: {  	s26 =	simm.s32 $execute0_lowered;
	[smem:$0x3FD2] =	sst s25  }
0xac: {  	s5 =	sshll.u32 s26, $0x1;
	_ =	strace $0x80000046;
	[dreg:$0x1] =	wrdreg $0xFFFFFFFF  }
0xad: {  	s28 =	simm.s32 $_size_execute0_lowered;
	s3 =	sadd.s32 s3, s5;
	[dreg:$0x0] =	wrdreg $0x0  }
0xae: {  	s5 =	sshll.u32 s28, $0x1;
	[dreg:$0x2] =	wrdreg s3  }
0xaf: {  	[dreg:$0x3] =	wrdreg s5  }
0xb0: {  	[dreg:$0x4] =	wrdreg $0xC0  }
0xb1: {  	_ =	task [dreg:s7], $0x5FFFF  }
0xb2: {  	[dreg:$0x1] =	wrdreg $0xFFFFFFFF  }
0xb3: {  	[dreg:$0x0] =	wrdreg $0x60  }
0xb4: {  	[dreg:$0x2] =	wrdreg s24  }
0xb5: {  	[dreg:$0x3] =	wrdreg s16  }
0xb6: {  	[dreg:$0x4] =	wrdreg $0x9  }
0xb7: {  	_ =	task.clear_ibuf [dreg:s7], $0x5FFFF;
	_ =	strace $0x90000046  }
0xb8: {  	s29 =	simm.s32 $0x9;
	_ =	strace $0x80000048  }
0xb9: {  	_ =	swait.ge [sflag:s29], $0x1  }
0xba: {  	[sflag:s29] =	ssyncadd.s32 $0xFFFFFFFF  }
0xbb: {  	_ =	strace $0x90000048  }
0xbc: {  	_ =	sfence  }
0xbd: {  	s30 =	sld [smem:$0x0];
	_ =	sdelay $0x2  }
0xbe: {  	s31 =	sshll.u32 s1, $0xD;
	s1 =	sshrl.u32 s1, $0x2  }
0xbf: {  	s3 =	sand.u32 $0x4000, s31;
	s1 =	sadd.s32 s1, s30  }
0xc0: {  	s0 =	sor.u32 s3, s0;
	s1 =	sshll.u32 s1, $0x11  }
0xc1: {  	s0 =	sor.u32 s1, s0  }
0xc2: {  	s0 =	sadd.s32 $0x8F2B, s0  }
0xc3: {  	[sflag:s0] =	ssyncadd.remote.s32 $0x1  }
0xc4: {  	_ =	sfence.sel $0xFFFF  }
0xc5: {  	[dreg:$0x0] =	wrdreg $0xFFFFFFFF;
	(pc) =	sbr.abs _section_cstart, $3  }
0xc6: {  	[dreg:$0x1] =	wrdreg $0xFFFFFFFF  }
0xc7: {  	_ =	task.clear_ibuf [dreg:s7], $0x2FFFF;
	_ =	strace $0x9FFFFFFF  }
0xc8: {  	(tm) =	ssettm $0x7FFFFFFF  }
0xc9: {  	_ =	shalt  }
tec
execute0_lowered:
.L_overlay_start_1:
0x0: {  	(tag) =	ssettag $0x1  }
0x1: {  	s1 =	srdreg.scid;
	s0 =	stileid.u32  }
0x2: {  	s5 =	rddreg [dreg:$0x0];
	s6 =	sand.u32 $0x1, s1;
	s30 =	sshll.u32 s0, $0x1  }
0x3: {  	s8 =	rddreg [dreg:$0x1];
	s2 =	simm.s32 $0x0;
	s9 =	sor.u32 s6, s30  }
0x4: {  	[smem:$0x7FF] =	sst s2;
	s3 =	sshll.u32 s9, $0x4  }
0x5: {  	s1 =	rddreg [dreg:$0x2];
	_ =	strace $0x80000047;
	s3 =	sadd.s32 s3, s5  }
0x6: {  	s10 =	ssub.s32 $0x2, s6;
	s4 =	sadd.s32 $0x22800, s3;
	s3 =	simm.s32 $0x2  }
0x7: {  	[tilespmem:s2], [sflag:$0x2] =	stream.linear.gather [hbm4b:s4+s2], $0x80, $0x38;
	[tilespmem:$0x4080] =	vst v63  }
0x8: {  	s7 =	simm.s32 $0x1;
	s11 =	sshrl.u32 s10, $0x1;
	_ =	swait.ge [sflag:s3], $0x80  }
0x9: {  	s6 =	simm.s32 $0x80;
	s10 =	ssub.s32 s10, s11;
	[sflag:s3] =	ssyncset.done $0x0  }
0xa: {  	s5 =	sadd.s32 $0x2800, s5;
	s31 =	smax.u32 s10, $0x1;
	[sflag:s3] =	ssyncadd.s32 $0xFFFFFF80  }
0xb: {  	[tilespmem:s6], [sflag:$0x1] =	stream.indirect.gather [hbm4b:s5+s6], $0x80, s2, s6, $0xb8;
	[tilespmem:$0x4080] =	vst v63  }
0xc: {  	p0 =	sne.s32 s31, $0x1;
	_ =	swait.ge [sflag:s7], $0x4000  }
.Ltmp0:
0xd: {  	s9 =	sshll.u32 s9, $0xB;
	[sflag:s7] =	ssyncset.done $0x0;
	(pc) =	sbr.rel @!p0 .LBB2_2-.Ltmp0, $4  }
0xe: {  	s8 =	sadd.s32 s8, s9;
	[sflag:s7] =	ssyncadd.s32 $0xFFFFC000  }
0xf: {  	[hbm4b:s8+s2] =	stream.linear.scatter [tilespmem:s6], [sflag:$0x2], $0x4000, $0x38;
	[tilespmem:$0x4080] =	vst v63  }
0x10: {  	_ =	swait.ge [sflag:s3], $0x4000  }
0x11: {  	s9 =	sadd.s32 $0xFFFFFFFF, s31;
	[sflag:s3] =	ssyncset.done $0x0  }
.LBB2_1:
0x12: {  	p0 =	sne.s32 s9, $0x1;
	s9 =	sadd.s32 $0xFFFFFFFF, s9;
	[sflag:s3] =	ssyncadd.s32 $0xFFFFC000  }
0x13: {  	[tilespmem:s2], [sflag:$0x2] =	stream.linear.gather [hbm4b:s4+s2], $0x80, $0x38;
	[tilespmem:$0x4080] =	vst v63  }
0x14: {  	_ =	swait.ge [sflag:s3], $0x80  }
0x15: {  	[sflag:s3] =	ssyncset.done $0x0  }
0x16: {  	[sflag:s3] =	ssyncadd.s32 $0xFFFFFF80  }
0x17: {  	[tilespmem:s6], [sflag:$0x1] =	stream.indirect.gather [hbm4b:s5+s6], $0x80, s2, s6, $0xb8;
	[tilespmem:$0x4080] =	vst v63  }
0x18: {  	_ =	swait.ge [sflag:s7], $0x4000  }
.Ltmp1:
0x19: {  	[sflag:s7] =	ssyncset.done $0x0;
	(pc) =	sbr.rel @p0 .LBB2_1-.Ltmp1, $4  }
0x1a: {  	[sflag:s7] =	ssyncadd.s32 $0xFFFFC000  }
0x1b: {  	[hbm4b:s8+s2] =	stream.linear.scatter [tilespmem:s6], [sflag:$0x2], $0x4000, $0x38;
	[tilespmem:$0x4080] =	vst v63  }
0x1c: {  	_ =	swait.ge [sflag:s3], $0x4000  }
0x1d: {  	[sflag:s3] =	ssyncset.done $0x0  }
.LBB2_2:
0x1e: {  	[sflag:s3] =	ssyncadd.s32 $0xFFFFC000  }
0x1f: {  	_ =	sfence.sel $0x180000  }
0x20: {  	[bflag:$0x0] =	sbarrier.arrive $0xFFFF  }
0x21: {  	p0 =	sne.s32 s0, $0x0;
	_ =	strace $0x90000047  }
0x22: {  	s0 =	sadd.s32 @!p0 $0x100000, s1;
	[bflag:$0x2] =	sbarrier.arrive $0xFFFF  }
0x23: {  	[sflag:s0] =	ssyncadd.tile.s32 @!p0 $0x1;
	_ =	shalt  }
.Lfunc_end2:
_tile_overlayer_lowered:
.L_overlay_start_2:
0x24: {  	(tag) =	ssettag $0x2  }
0x25: {  	s0 =	rddreg [dreg:$0x0];
	s2 =	stileid.u32  }
0x26: {  	s1 =	rddreg [dreg:$0x1];
	p0 =	sne.s32 s2, $0x0  }
0x27: {  	s3 =	rddreg [dreg:$0x2];
	[bflag:$0x3] =	sbarrier.arrive $0xFFFF;
	s2 =	simm.s32 @!p0 $0x1C02  }
0x28: {  	[timem:s3], [sflag:s2] =	dma.local @!p0 [hbm:s0], s1  }
0x29: {  	s0 =	simm.s32 @!p0 $0x2  }
0x2a: {  	_ =	swait.ge @!p0 [sflag:s0], s1  }
0x2b: {  	s1 =	ssub.s32 @!p0 $0x0, s1;
	[sflag:s0] =	ssyncset.done @!p0 $0x0  }
0x2c: {  	[sflag:s0] =	ssyncadd.s32 @!p0 s1  }
0x2d: {  	[bflag:$0x3] =	sbarrier.arrive $0xFFFF  }
0x2e: {  	_ =	shalt  }

</sc_bundles>
